<compile_context>
chip_gen: v7x
topology: tpu7x:2x2x1
jax: 0.10.2.dev20260603
libtpu: 0.0.44.dev20260713+nightly
codegen_flags: <defaults>
</compile_context>

<pallas_src>
import jax
import jax.numpy as jnp
from jax import lax
from jax.experimental import pallas as pl
from jax.experimental.pallas import tpu as pltpu
from jax.experimental.pallas import tpu_sc as plsc

_NC = 2
_NS = 16
_NW = _NC * _NS
_CH = 12800
_K = 7


def _sc_body(logits_hbm, labels_hbm, out_hbm, row_v, sems_in, sems_out):
    n, c = logits_hbm.shape
    rows_per = n // _NW
    wid = lax.axis_index("s") * _NC + lax.axis_index("c")
    base = wid * rows_per

    def do_row(j, carry):
        row = base + j
        in_copies = {}

        def start_in(k):
            off = k * _CH

            @pl.when(j > 0)
            def _():
                pltpu.make_async_copy(
                    row_v.at[pl.ds(off, _CH)],
                    out_hbm.at[row - 1].at[pl.ds(off, _CH)],
                    sems_out[k],
                ).wait()

            in_copies[k] = pltpu.async_copy(
                logits_hbm.at[row].at[pl.ds(off, _CH)],
                row_v.at[pl.ds(off, _CH)],
                sems_in[k],
            )

        start_in(0)
        for k in range(_K):
            if k + 1 < _K:
                start_in(k + 1)
            in_copies[k].wait()
            off = k * _CH
            pltpu.async_copy(
                row_v.at[pl.ds(off, _CH)],
                out_hbm.at[row].at[pl.ds(off, _CH)],
                sems_out[k],
            )
        return carry

    lax.fori_loop(0, rows_per, do_row, 0)

    last = base + rows_per - 1
    for k in range(_K):
        off = k * _CH
        pltpu.make_async_copy(
            row_v.at[pl.ds(off, _CH)],
            out_hbm.at[last].at[pl.ds(off, _CH)],
            sems_out[k],
        ).wait()


@jax.jit
def _run(logits, labels):
    n, c = logits.shape
    mesh = plsc.VectorSubcoreMesh(core_axis_name="c", subcore_axis_name="s")
    return pl.kernel(
        _sc_body,
        out_type=jax.ShapeDtypeStruct((n, c), jnp.float32),
        mesh=mesh,
        scratch_types=[
            pltpu.VMEM((c,), jnp.float32),
            [pltpu.SemaphoreType.DMA] * _K,
            [pltpu.SemaphoreType.DMA] * _K,
        ],
        compiler_params=pltpu.CompilerParams(needs_layout_passes=False),
    )(logits, labels)


def kernel(logits, labels):
    return _run(logits, labels.astype(jnp.int32))

# --- scband reference (transcript-rebuilt; emitter-appended) ---
"""Pipeline reference for scband-arc-face-59365037965564 (READ-ONLY COPY).

The authoritative reference and input builder live on the scoring server;
editing this copy changes nothing except your own understanding.
"""

import jax, jax.numpy as jnp
import numpy as np
import math

S = 64.0
MARGIN = 0.5

def setup_inputs(seed: int = 0) -> dict:
    key = jax.random.key(seed)
    k1, k2 = jax.random.split(key)
    logits = jax.random.normal(k1, (1024, 100000), dtype=jnp.float32)
    labels = jax.random.randint(k2, (1024,), 0, 100000)
    return {"logits": logits, "labels": labels}

def reference(logits, labels):
    # F.normalize(logits, dim=1) with eps=1e-12
    norms = jnp.linalg.norm(logits, axis=1, keepdims=True)
    normed = logits / jnp.maximum(norms, 1e-12)
    valid = labels != -1
    rows = jnp.arange(normed.shape[0])
    labels_safe = jnp.where(valid, labels, 0)
    # gather target logit per row
    target_logit = normed[rows, labels_safe]
    # theta = arccos(target); theta_m = theta + margin; new = cos(theta_m)
    theta = jnp.arccos(jnp.clip(target_logit, -1.0, 1.0))
    target_with_margin = jnp.cos(theta + MARGIN)
    new_val = jnp.where(valid, target_with_margin, target_logit)
    # scatter-overwrite the target positions
    out = normed.at[rows, labels_safe].set(new_val)
    return out * S

if __name__ == "__main__":
    import jax
    _d = setup_inputs()
    print(jax.jit(kernel)(*tuple(_d.values())))

</pallas_src>

<mosaic_0001>
#map = affine_map<(d0, d1) -> (0, 0)>
#map1 = affine_map<(d0, d1) -> (0)>
module attributes {stable_mosaic.version = 14 : i64} {
  func.func @_sc_body(%arg0: i32, %arg1: i32, %arg2: memref<1024x100000xf32, #tpu.memory_space<hbm>>, %arg3: memref<1024xi32, #tpu.memory_space<hbm>>, %arg4: memref<1024x100000xf32, #tpu.memory_space<hbm>>, %arg5: memref<100000xf32, #tpu.memory_space<vmem>>, %arg6: memref<!tpu.dma_semaphore, #tpu.memory_space<semaphore_mem>>, %arg7: memref<!tpu.dma_semaphore, #tpu.memory_space<semaphore_mem>>, %arg8: memref<!tpu.dma_semaphore, #tpu.memory_space<semaphore_mem>>, %arg9: memref<!tpu.dma_semaphore, #tpu.memory_space<semaphore_mem>>, %arg10: memref<!tpu.dma_semaphore, #tpu.memory_space<semaphore_mem>>, %arg11: memref<!tpu.dma_semaphore, #tpu.memory_space<semaphore_mem>>, %arg12: memref<!tpu.dma_semaphore, #tpu.memory_space<semaphore_mem>>, %arg13: memref<!tpu.dma_semaphore, #tpu.memory_space<semaphore_mem>>, %arg14: memref<!tpu.dma_semaphore, #tpu.memory_space<semaphore_mem>>, %arg15: memref<!tpu.dma_semaphore, #tpu.memory_space<semaphore_mem>>, %arg16: memref<!tpu.dma_semaphore, #tpu.memory_space<semaphore_mem>>, %arg17: memref<!tpu.dma_semaphore, #tpu.memory_space<semaphore_mem>>, %arg18: memref<!tpu.dma_semaphore, #tpu.memory_space<semaphore_mem>>, %arg19: memref<!tpu.dma_semaphore, #tpu.memory_space<semaphore_mem>>) attributes {dimension_semantics = [#tpu.dimension_semantics<core_parallel>, #tpu.dimension_semantics<subcore_parallel>], iteration_bounds = array<i64: 2, 16>, scalar_prefetch = 0 : i64, scratch_operands = 15 : i64, tpu.core_type = #tpu.core_type<sc_vector_subcore>, window_params = [{transform_indices = #map}, {transform_indices = #map1}, {transform_indices = #map}]} {
    %mul3A = arith.constant 2 : i32
    %mul3A_0 = arith.muli %arg1, %mul3A : i32
    %add3A = arith.addi %mul3A_0, %arg0 : i32
    %mul3A_1 = arith.constant 32 : i32
    %mul3A_2 = arith.muli %add3A, %mul3A_1 : i32
    %scan3A = arith.constant 0 : i32
    %scan3A_3 = arith.constant 0 : i32
    %scan3A_4 = arith.constant 32 : i32
    %scan3A_5 = arith.addi %scan3A_3, %scan3A_4 : i32
    %scan3A_6 = arith.constant 1 : i32
    scf.for %scan3A_108 = %scan3A_3 to %scan3A_5 step %scan3A_6  : i32 {
      %add3A_109 = arith.addi %mul3A_2, %scan3A_108 : i32
      %gt3A = arith.constant 0 : i32
      %gt3A_110 = arith.cmpi sgt, %scan3A_108, %gt3A : i32
      %convert_element_type3A = arith.extui %gt3A_110 : i1 to i32
      %cond3A = arith.constant 0 : i32
      %cond3A_111 = arith.cmpi ne, %convert_element_type3A, %cond3A : i32
      scf.if %cond3A_111 {
        %sub3A_435 = arith.constant 1 : i32
        %sub3A_436 = arith.subi %add3A_109, %sub3A_435 : i32
        %dma_wait3A_437 = arith.constant 0 : i32
        %dma_wait3A_438 = tpu.memref_slice %arg5[%dma_wait3A_437] : memref<100000xf32, #tpu.memory_space<vmem>> -> memref<12800xf32, #tpu.memory_space<vmem>>
        %dma_wait3A_439 = arith.constant 0 : i32
        %dma_wait3A_440 = tpu.memref_slice %arg4[%sub3A_436, %dma_wait3A_439] : memref<1024x100000xf32, #tpu.memory_space<hbm>> -> memref<1x100000xf32, #tpu.memory_space<hbm>>
        %dma_wait3A_441 = tpu.memref_squeeze %dma_wait3A_440 : memref<1x100000xf32, #tpu.memory_space<hbm>> -> memref<100000xf32, #tpu.memory_space<hbm>>
        %dma_wait3A_442 = arith.constant 0 : i32
        %dma_wait3A_443 = tpu.memref_slice %dma_wait3A_441[%dma_wait3A_442] : memref<100000xf32, #tpu.memory_space<hbm>> -> memref<12800xf32, #tpu.memory_space<hbm>>
        %dma_wait3A_444 = arith.constant 0 : i32
        %dma_wait3A_445 = tpu.memref_slice %arg4[%sub3A_436, %dma_wait3A_444] : memref<1024x100000xf32, #tpu.memory_space<hbm>> -> memref<1x100000xf32, #tpu.memory_space<hbm>>
        %dma_wait3A_446 = tpu.memref_squeeze %dma_wait3A_445 : memref<1x100000xf32, #tpu.memory_space<hbm>> -> memref<100000xf32, #tpu.memory_space<hbm>>
        %dma_wait3A_447 = arith.constant 0 : i32
        %dma_wait3A_448 = tpu.memref_slice %dma_wait3A_446[%dma_wait3A_447] : memref<100000xf32, #tpu.memory_space<hbm>> -> memref<12800xf32, #tpu.memory_space<hbm>>
        %dma_wait3A_449 = arith.constant 0 : i32
        %dma_wait3A_450 = tpu.memref_slice %arg5[%dma_wait3A_449] : memref<100000xf32, #tpu.memory_space<vmem>> -> memref<12800xf32, #tpu.memory_space<vmem>>
        tpu.wait_dma2 semaphore(%arg13 : memref<!tpu.dma_semaphore, #tpu.memory_space<semaphore_mem>>) src(%dma_wait3A_450 : memref<12800xf32, #tpu.memory_space<vmem>>) dst(%dma_wait3A_448 : memref<12800xf32, #tpu.memory_space<hbm>>)
      } else {
      }
      %dma_start3A = arith.constant 0 : i32
      %dma_start3A_112 = tpu.memref_slice %arg5[%dma_start3A] : memref<100000xf32, #tpu.memory_space<vmem>> -> memref<12800xf32, #tpu.memory_space<vmem>>
      %dma_start3A_113 = arith.constant 0 : i32
      %dma_start3A_114 = tpu.memref_slice %arg2[%add3A_109, %dma_start3A_113] : memref<1024x100000xf32, #tpu.memory_space<hbm>> -> memref<1x100000xf32, #tpu.memory_space<hbm>>
      %dma_start3A_115 = tpu.memref_squeeze %dma_start3A_114 : memref<1x100000xf32, #tpu.memory_space<hbm>> -> memref<100000xf32, #tpu.memory_space<hbm>>
      %dma_start3A_116 = arith.constant 0 : i32
      %dma_start3A_117 = tpu.memref_slice %dma_start3A_115[%dma_start3A_116] : memref<100000xf32, #tpu.memory_space<hbm>> -> memref<12800xf32, #tpu.memory_space<hbm>>
      %dma_start3A_118 = arith.constant 0 : i32
      %dma_start3A_119 = tpu.memref_slice %arg5[%dma_start3A_118] : memref<100000xf32, #tpu.memory_space<vmem>> -> memref<12800xf32, #tpu.memory_space<vmem>>
      %dma_start3A_120 = arith.constant 0 : i32
      %dma_start3A_121 = tpu.memref_slice %arg2[%add3A_109, %dma_start3A_120] : memref<1024x100000xf32, #tpu.memory_space<hbm>> -> memref<1x100000xf32, #tpu.memory_space<hbm>>
      %dma_start3A_122 = tpu.memref_squeeze %dma_start3A_121 : memref<1x100000xf32, #tpu.memory_space<hbm>> -> memref<100000xf32, #tpu.memory_space<hbm>>
      %dma_start3A_123 = arith.constant 0 : i32
      %dma_start3A_124 = tpu.memref_slice %dma_start3A_122[%dma_start3A_123] : memref<100000xf32, #tpu.memory_space<hbm>> -> memref<12800xf32, #tpu.memory_space<hbm>>
      tpu.enqueue_dma source(%dma_start3A_124 : memref<12800xf32, #tpu.memory_space<hbm>>) target(%dma_start3A_119 : memref<12800xf32, #tpu.memory_space<vmem>>) target_semaphore(%arg6 : memref<!tpu.dma_semaphore, #tpu.memory_space<semaphore_mem>>)
      %gt3A_125 = arith.constant 0 : i32
      %gt3A_126 = arith.cmpi sgt, %scan3A_108, %gt3A_125 : i32
      %convert_element_type3A_127 = arith.extui %gt3A_126 : i1 to i32
      %cond3A_128 = arith.constant 0 : i32
      %cond3A_129 = arith.cmpi ne, %convert_element_type3A_127, %cond3A_128 : i32
      scf.if %cond3A_129 {
        %sub3A_435 = arith.constant 1 : i32
        %sub3A_436 = arith.subi %add3A_109, %sub3A_435 : i32
        %dma_wait3A_437 = arith.constant 12800 : i32
        %dma_wait3A_438 = tpu.memref_slice %arg5[%dma_wait3A_437] : memref<100000xf32, #tpu.memory_space<vmem>> -> memref<12800xf32, #tpu.memory_space<vmem>>
        %dma_wait3A_439 = arith.constant 0 : i32
        %dma_wait3A_440 = tpu.memref_slice %arg4[%sub3A_436, %dma_wait3A_439] : memref<1024x100000xf32, #tpu.memory_space<hbm>> -> memref<1x100000xf32, #tpu.memory_space<hbm>>
        %dma_wait3A_441 = tpu.memref_squeeze %dma_wait3A_440 : memref<1x100000xf32, #tpu.memory_space<hbm>> -> memref<100000xf32, #tpu.memory_space<hbm>>
        %dma_wait3A_442 = arith.constant 12800 : i32
        %dma_wait3A_443 = tpu.memref_slice %dma_wait3A_441[%dma_wait3A_442] : memref<100000xf32, #tpu.memory_space<hbm>> -> memref<12800xf32, #tpu.memory_space<hbm>>
        %dma_wait3A_444 = arith.constant 0 : i32
        %dma_wait3A_445 = tpu.memref_slice %arg4[%sub3A_436, %dma_wait3A_444] : memref<1024x100000xf32, #tpu.memory_space<hbm>> -> memref<1x100000xf32, #tpu.memory_space<hbm>>
        %dma_wait3A_446 = tpu.memref_squeeze %dma_wait3A_445 : memref<1x100000xf32, #tpu.memory_space<hbm>> -> memref<100000xf32, #tpu.memory_space<hbm>>
        %dma_wait3A_447 = arith.constant 12800 : i32
        %dma_wait3A_448 = tpu.memref_slice %dma_wait3A_446[%dma_wait3A_447] : memref<100000xf32, #tpu.memory_space<hbm>> -> memref<12800xf32, #tpu.memory_space<hbm>>
        %dma_wait3A_449 = arith.constant 12800 : i32
        %dma_wait3A_450 = tpu.memref_slice %arg5[%dma_wait3A_449] : memref<100000xf32, #tpu.memory_space<vmem>> -> memref<12800xf32, #tpu.memory_space<vmem>>
        tpu.wait_dma2 semaphore(%arg14 : memref<!tpu.dma_semaphore, #tpu.memory_space<semaphore_mem>>) src(%dma_wait3A_450 : memref<12800xf32, #tpu.memory_space<vmem>>) dst(%dma_wait3A_448 : memref<12800xf32, #tpu.memory_space<hbm>>)
      } else {
      }
      %dma_start3A_130 = arith.constant 12800 : i32
      %dma_start3A_131 = tpu.memref_slice %arg5[%dma_start3A_130] : memref<100000xf32, #tpu.memory_space<vmem>> -> memref<12800xf32, #tpu.memory_space<vmem>>
      %dma_start3A_132 = arith.constant 0 : i32
      %dma_start3A_133 = tpu.memref_slice %arg2[%add3A_109, %dma_start3A_132] : memref<1024x100000xf32, #tpu.memory_space<hbm>> -> memref<1x100000xf32, #tpu.memory_space<hbm>>
      %dma_start3A_134 = tpu.memref_squeeze %dma_start3A_133 : memref<1x100000xf32, #tpu.memory_space<hbm>> -> memref<100000xf32, #tpu.memory_space<hbm>>
      %dma_start3A_135 = arith.constant 12800 : i32
      %dma_start3A_136 = tpu.memref_slice %dma_start3A_134[%dma_start3A_135] : memref<100000xf32, #tpu.memory_space<hbm>> -> memref<12800xf32, #tpu.memory_space<hbm>>
      %dma_start3A_137 = arith.constant 12800 : i32
      %dma_start3A_138 = tpu.memref_slice %arg5[%dma_start3A_137] : memref<100000xf32, #tpu.memory_space<vmem>> -> memref<12800xf32, #tpu.memory_space<vmem>>
      %dma_start3A_139 = arith.constant 0 : i32
      %dma_start3A_140 = tpu.memref_slice %arg2[%add3A_109, %dma_start3A_139] : memref<1024x100000xf32, #tpu.memory_space<hbm>> -> memref<1x100000xf32, #tpu.memory_space<hbm>>
      %dma_start3A_141 = tpu.memref_squeeze %dma_start3A_140 : memref<1x100000xf32, #tpu.memory_space<hbm>> -> memref<100000xf32, #tpu.memory_space<hbm>>
      %dma_start3A_142 = arith.constant 12800 : i32
      %dma_start3A_143 = tpu.memref_slice %dma_start3A_141[%dma_start3A_142] : memref<100000xf32, #tpu.memory_space<hbm>> -> memref<12800xf32, #tpu.memory_space<hbm>>
      tpu.enqueue_dma source(%dma_start3A_143 : memref<12800xf32, #tpu.memory_space<hbm>>) target(%dma_start3A_138 : memref<12800xf32, #tpu.memory_space<vmem>>) target_semaphore(%arg7 : memref<!tpu.dma_semaphore, #tpu.memory_space<semaphore_mem>>)
      %dma_wait3A_144 = arith.constant 0 : i32
      %dma_wait3A_145 = tpu.memref_slice %arg5[%dma_wait3A_144] : memref<100000xf32, #tpu.memory_space<vmem>> -> memref<12800xf32, #tpu.memory_space<vmem>>
      %dma_wait3A_146 = arith.constant 0 : i32
      %dma_wait3A_147 = tpu.memref_slice %arg2[%add3A_109, %dma_wait3A_146] : memref<1024x100000xf32, #tpu.memory_space<hbm>> -> memref<1x100000xf32, #tpu.memory_space<hbm>>
      %dma_wait3A_148 = tpu.memref_squeeze %dma_wait3A_147 : memref<1x100000xf32, #tpu.memory_space<hbm>> -> memref<100000xf32, #tpu.memory_space<hbm>>
      %dma_wait3A_149 = arith.constant 0 : i32
      %dma_wait3A_150 = tpu.memref_slice %dma_wait3A_148[%dma_wait3A_149] : memref<100000xf32, #tpu.memory_space<hbm>> -> memref<12800xf32, #tpu.memory_space<hbm>>
      %dma_wait3A_151 = arith.constant 0 : i32
      %dma_wait3A_152 = tpu.memref_slice %arg5[%dma_wait3A_151] : memref<100000xf32, #tpu.memory_space<vmem>> -> memref<12800xf32, #tpu.memory_space<vmem>>
      %dma_wait3A_153 = arith.constant 0 : i32
      %dma_wait3A_154 = tpu.memref_slice %arg2[%add3A_109, %dma_wait3A_153] : memref<1024x100000xf32, #tpu.memory_space<hbm>> -> memref<1x100000xf32, #tpu.memory_space<hbm>>
      %dma_wait3A_155 = tpu.memref_squeeze %dma_wait3A_154 : memref<1x100000xf32, #tpu.memory_space<hbm>> -> memref<100000xf32, #tpu.memory_space<hbm>>
      %dma_wait3A_156 = arith.constant 0 : i32
      %dma_wait3A_157 = tpu.memref_slice %dma_wait3A_155[%dma_wait3A_156] : memref<100000xf32, #tpu.memory_space<hbm>> -> memref<12800xf32, #tpu.memory_space<hbm>>
      tpu.wait_dma2 semaphore(%arg6 : memref<!tpu.dma_semaphore, #tpu.memory_space<semaphore_mem>>) src(%dma_wait3A_157 : memref<12800xf32, #tpu.memory_space<hbm>>) dst(%dma_wait3A_152 : memref<12800xf32, #tpu.memory_space<vmem>>)
      %dma_start3A_158 = arith.constant 0 : i32
      %dma_start3A_159 = tpu.memref_slice %arg5[%dma_start3A_158] : memref<100000xf32, #tpu.memory_space<vmem>> -> memref<12800xf32, #tpu.memory_space<vmem>>
      %dma_start3A_160 = arith.constant 0 : i32
      %dma_start3A_161 = tpu.memref_slice %arg4[%add3A_109, %dma_start3A_160] : memref<1024x100000xf32, #tpu.memory_space<hbm>> -> memref<1x100000xf32, #tpu.memory_space<hbm>>
      %dma_start3A_162 = tpu.memref_squeeze %dma_start3A_161 : memref<1x100000xf32, #tpu.memory_space<hbm>> -> memref<100000xf32, #tpu.memory_space<hbm>>
      %dma_start3A_163 = arith.constant 0 : i32
      %dma_start3A_164 = tpu.memref_slice %dma_start3A_162[%dma_start3A_163] : memref<100000xf32, #tpu.memory_space<hbm>> -> memref<12800xf32, #tpu.memory_space<hbm>>
      %dma_start3A_165 = arith.constant 0 : i32
      %dma_start3A_166 = tpu.memref_slice %arg4[%add3A_109, %dma_start3A_165] : memref<1024x100000xf32, #tpu.memory_space<hbm>> -> memref<1x100000xf32, #tpu.memory_space<hbm>>
      %dma_start3A_167 = tpu.memref_squeeze %dma_start3A_166 : memref<1x100000xf32, #tpu.memory_space<hbm>> -> memref<100000xf32, #tpu.memory_space<hbm>>
      %dma_start3A_168 = arith.constant 0 : i32
      %dma_start3A_169 = tpu.memref_slice %dma_start3A_167[%dma_start3A_168] : memref<100000xf32, #tpu.memory_space<hbm>> -> memref<12800xf32, #tpu.memory_space<hbm>>
      %dma_start3A_170 = arith.constant 0 : i32
      %dma_start3A_171 = tpu.memref_slice %arg5[%dma_start3A_170] : memref<100000xf32, #tpu.memory_space<vmem>> -> memref<12800xf32, #tpu.memory_space<vmem>>
      tpu.enqueue_dma source(%dma_start3A_171 : memref<12800xf32, #tpu.memory_space<vmem>>) target(%dma_start3A_169 : memref<12800xf32, #tpu.memory_space<hbm>>) target_semaphore(%arg13 : memref<!tpu.dma_semaphore, #tpu.memory_space<semaphore_mem>>)
      %gt3A_172 = arith.constant 0 : i32
      %gt3A_173 = arith.cmpi sgt, %scan3A_108, %gt3A_172 : i32
      %convert_element_type3A_174 = arith.extui %gt3A_173 : i1 to i32
      %cond3A_175 = arith.constant 0 : i32
      %cond3A_176 = arith.cmpi ne, %convert_element_type3A_174, %cond3A_175 : i32
      scf.if %cond3A_176 {
        %sub3A_435 = arith.constant 1 : i32
        %sub3A_436 = arith.subi %add3A_109, %sub3A_435 : i32
        %dma_wait3A_437 = arith.constant 25600 : i32
        %dma_wait3A_438 = tpu.memref_slice %arg5[%dma_wait3A_437] : memref<100000xf32, #tpu.memory_space<vmem>> -> memref<12800xf32, #tpu.memory_space<vmem>>
        %dma_wait3A_439 = arith.constant 0 : i32
        %dma_wait3A_440 = tpu.memref_slice %arg4[%sub3A_436, %dma_wait3A_439] : memref<1024x100000xf32, #tpu.memory_space<hbm>> -> memref<1x100000xf32, #tpu.memory_space<hbm>>
        %dma_wait3A_441 = tpu.memref_squeeze %dma_wait3A_440 : memref<1x100000xf32, #tpu.memory_space<hbm>> -> memref<100000xf32, #tpu.memory_space<hbm>>
        %dma_wait3A_442 = arith.constant 25600 : i32
        %dma_wait3A_443 = tpu.memref_slice %dma_wait3A_441[%dma_wait3A_442] : memref<100000xf32, #tpu.memory_space<hbm>> -> memref<12800xf32, #tpu.memory_space<hbm>>
        %dma_wait3A_444 = arith.constant 0 : i32
        %dma_wait3A_445 = tpu.memref_slice %arg4[%sub3A_436, %dma_wait3A_444] : memref<1024x100000xf32, #tpu.memory_space<hbm>> -> memref<1x100000xf32, #tpu.memory_space<hbm>>
        %dma_wait3A_446 = tpu.memref_squeeze %dma_wait3A_445 : memref<1x100000xf32, #tpu.memory_space<hbm>> -> memref<100000xf32, #tpu.memory_space<hbm>>
        %dma_wait3A_447 = arith.constant 25600 : i32
        %dma_wait3A_448 = tpu.memref_slice %dma_wait3A_446[%dma_wait3A_447] : memref<100000xf32, #tpu.memory_space<hbm>> -> memref<12800xf32, #tpu.memory_space<hbm>>
        %dma_wait3A_449 = arith.constant 25600 : i32
        %dma_wait3A_450 = tpu.memref_slice %arg5[%dma_wait3A_449] : memref<100000xf32, #tpu.memory_space<vmem>> -> memref<12800xf32, #tpu.memory_space<vmem>>
        tpu.wait_dma2 semaphore(%arg15 : memref<!tpu.dma_semaphore, #tpu.memory_space<semaphore_mem>>) src(%dma_wait3A_450 : memref<12800xf32, #tpu.memory_space<vmem>>) dst(%dma_wait3A_448 : memref<12800xf32, #tpu.memory_space<hbm>>)
      } else {
      }
      %dma_start3A_177 = arith.constant 25600 : i32
      %dma_start3A_178 = tpu.memref_slice %arg5[%dma_start3A_177] : memref<100000xf32, #tpu.memory_space<vmem>> -> memref<12800xf32, #tpu.memory_space<vmem>>
      %dma_start3A_179 = arith.constant 0 : i32
      %dma_start3A_180 = tpu.memref_slice %arg2[%add3A_109, %dma_start3A_179] : memref<1024x100000xf32, #tpu.memory_space<hbm>> -> memref<1x100000xf32, #tpu.memory_space<hbm>>
      %dma_start3A_181 = tpu.memref_squeeze %dma_start3A_180 : memref<1x100000xf32, #tpu.memory_space<hbm>> -> memref<100000xf32, #tpu.memory_space<hbm>>
      %dma_start3A_182 = arith.constant 25600 : i32
      %dma_start3A_183 = tpu.memref_slice %dma_start3A_181[%dma_start3A_182] : memref<100000xf32, #tpu.memory_space<hbm>> -> memref<12800xf32, #tpu.memory_space<hbm>>
      %dma_start3A_184 = arith.constant 25600 : i32
      %dma_start3A_185 = tpu.memref_slice %arg5[%dma_start3A_184] : memref<100000xf32, #tpu.memory_space<vmem>> -> memref<12800xf32, #tpu.memory_space<vmem>>
      %dma_start3A_186 = arith.constant 0 : i32
      %dma_start3A_187 = tpu.memref_slice %arg2[%add3A_109, %dma_start3A_186] : memref<1024x100000xf32, #tpu.memory_space<hbm>> -> memref<1x100000xf32, #tpu.memory_space<hbm>>
      %dma_start3A_188 = tpu.memref_squeeze %dma_start3A_187 : memref<1x100000xf32, #tpu.memory_space<hbm>> -> memref<100000xf32, #tpu.memory_space<hbm>>
      %dma_start3A_189 = arith.constant 25600 : i32
      %dma_start3A_190 = tpu.memref_slice %dma_start3A_188[%dma_start3A_189] : memref<100000xf32, #tpu.memory_space<hbm>> -> memref<12800xf32, #tpu.memory_space<hbm>>
      tpu.enqueue_dma source(%dma_start3A_190 : memref<12800xf32, #tpu.memory_space<hbm>>) target(%dma_start3A_185 : memref<12800xf32, #tpu.memory_space<vmem>>) target_semaphore(%arg8 : memref<!tpu.dma_semaphore, #tpu.memory_space<semaphore_mem>>)
      %dma_wait3A_191 = arith.constant 12800 : i32
      %dma_wait3A_192 = tpu.memref_slice %arg5[%dma_wait3A_191] : memref<100000xf32, #tpu.memory_space<vmem>> -> memref<12800xf32, #tpu.memory_space<vmem>>
      %dma_wait3A_193 = arith.constant 0 : i32
      %dma_wait3A_194 = tpu.memref_slice %arg2[%add3A_109, %dma_wait3A_193] : memref<1024x100000xf32, #tpu.memory_space<hbm>> -> memref<1x100000xf32, #tpu.memory_space<hbm>>
      %dma_wait3A_195 = tpu.memref_squeeze %dma_wait3A_194 : memref<1x100000xf32, #tpu.memory_space<hbm>> -> memref<100000xf32, #tpu.memory_space<hbm>>
      %dma_wait3A_196 = arith.constant 12800 : i32
      %dma_wait3A_197 = tpu.memref_slice %dma_wait3A_195[%dma_wait3A_196] : memref<100000xf32, #tpu.memory_space<hbm>> -> memref<12800xf32, #tpu.memory_space<hbm>>
      %dma_wait3A_198 = arith.constant 12800 : i32
      %dma_wait3A_199 = tpu.memref_slice %arg5[%dma_wait3A_198] : memref<100000xf32, #tpu.memory_space<vmem>> -> memref<12800xf32, #tpu.memory_space<vmem>>
      %dma_wait3A_200 = arith.constant 0 : i32
      %dma_wait3A_201 = tpu.memref_slice %arg2[%add3A_109, %dma_wait3A_200] : memref<1024x100000xf32, #tpu.memory_space<hbm>> -> memref<1x100000xf32, #tpu.memory_space<hbm>>
      %dma_wait3A_202 = tpu.memref_squeeze %dma_wait3A_201 : memref<1x100000xf32, #tpu.memory_space<hbm>> -> memref<100000xf32, #tpu.memory_space<hbm>>
      %dma_wait3A_203 = arith.constant 12800 : i32
      %dma_wait3A_204 = tpu.memref_slice %dma_wait3A_202[%dma_wait3A_203] : memref<100000xf32, #tpu.memory_space<hbm>> -> memref<12800xf32, #tpu.memory_space<hbm>>
      tpu.wait_dma2 semaphore(%arg7 : memref<!tpu.dma_semaphore, #tpu.memory_space<semaphore_mem>>) src(%dma_wait3A_204 : memref<12800xf32, #tpu.memory_space<hbm>>) dst(%dma_wait3A_199 : memref<12800xf32, #tpu.memory_space<vmem>>)
      %dma_start3A_205 = arith.constant 12800 : i32
      %dma_start3A_206 = tpu.memref_slice %arg5[%dma_start3A_205] : memref<100000xf32, #tpu.memory_space<vmem>> -> memref<12800xf32, #tpu.memory_space<vmem>>
      %dma_start3A_207 = arith.constant 0 : i32
      %dma_start3A_208 = tpu.memref_slice %arg4[%add3A_109, %dma_start3A_207] : memref<1024x100000xf32, #tpu.memory_space<hbm>> -> memref<1x100000xf32, #tpu.memory_space<hbm>>
      %dma_start3A_209 = tpu.memref_squeeze %dma_start3A_208 : memref<1x100000xf32, #tpu.memory_space<hbm>> -> memref<100000xf32, #tpu.memory_space<hbm>>
      %dma_start3A_210 = arith.constant 12800 : i32
      %dma_start3A_211 = tpu.memref_slice %dma_start3A_209[%dma_start3A_210] : memref<100000xf32, #tpu.memory_space<hbm>> -> memref<12800xf32, #tpu.memory_space<hbm>>
      %dma_start3A_212 = arith.constant 0 : i32
      %dma_start3A_213 = tpu.memref_slice %arg4[%add3A_109, %dma_start3A_212] : memref<1024x100000xf32, #tpu.memory_space<hbm>> -> memref<1x100000xf32, #tpu.memory_space<hbm>>
      %dma_start3A_214 = tpu.memref_squeeze %dma_start3A_213 : memref<1x100000xf32, #tpu.memory_space<hbm>> -> memref<100000xf32, #tpu.memory_space<hbm>>
      %dma_start3A_215 = arith.constant 12800 : i32
      %dma_start3A_216 = tpu.memref_slice %dma_start3A_214[%dma_start3A_215] : memref<100000xf32, #tpu.memory_space<hbm>> -> memref<12800xf32, #tpu.memory_space<hbm>>
      %dma_start3A_217 = arith.constant 12800 : i32
      %dma_start3A_218 = tpu.memref_slice %arg5[%dma_start3A_217] : memref<100000xf32, #tpu.memory_space<vmem>> -> memref<12800xf32, #tpu.memory_space<vmem>>
      tpu.enqueue_dma source(%dma_start3A_218 : memref<12800xf32, #tpu.memory_space<vmem>>) target(%dma_start3A_216 : memref<12800xf32, #tpu.memory_space<hbm>>) target_semaphore(%arg14 : memref<!tpu.dma_semaphore, #tpu.memory_space<semaphore_mem>>)
      %gt3A_219 = arith.constant 0 : i32
      %gt3A_220 = arith.cmpi sgt, %scan3A_108, %gt3A_219 : i32
      %convert_element_type3A_221 = arith.extui %gt3A_220 : i1 to i32
      %cond3A_222 = arith.constant 0 : i32
      %cond3A_223 = arith.cmpi ne, %convert_element_type3A_221, %cond3A_222 : i32
      scf.if %cond3A_223 {
        %sub3A_435 = arith.constant 1 : i32
        %sub3A_436 = arith.subi %add3A_109, %sub3A_435 : i32
        %dma_wait3A_437 = arith.constant 38400 : i32
        %dma_wait3A_438 = tpu.memref_slice %arg5[%dma_wait3A_437] : memref<100000xf32, #tpu.memory_space<vmem>> -> memref<12800xf32, #tpu.memory_space<vmem>>
        %dma_wait3A_439 = arith.constant 0 : i32
        %dma_wait3A_440 = tpu.memref_slice %arg4[%sub3A_436, %dma_wait3A_439] : memref<1024x100000xf32, #tpu.memory_space<hbm>> -> memref<1x100000xf32, #tpu.memory_space<hbm>>
        %dma_wait3A_441 = tpu.memref_squeeze %dma_wait3A_440 : memref<1x100000xf32, #tpu.memory_space<hbm>> -> memref<100000xf32, #tpu.memory_space<hbm>>
        %dma_wait3A_442 = arith.constant 38400 : i32
        %dma_wait3A_443 = tpu.memref_slice %dma_wait3A_441[%dma_wait3A_442] : memref<100000xf32, #tpu.memory_space<hbm>> -> memref<12800xf32, #tpu.memory_space<hbm>>
        %dma_wait3A_444 = arith.constant 0 : i32
        %dma_wait3A_445 = tpu.memref_slice %arg4[%sub3A_436, %dma_wait3A_444] : memref<1024x100000xf32, #tpu.memory_space<hbm>> -> memref<1x100000xf32, #tpu.memory_space<hbm>>
        %dma_wait3A_446 = tpu.memref_squeeze %dma_wait3A_445 : memref<1x100000xf32, #tpu.memory_space<hbm>> -> memref<100000xf32, #tpu.memory_space<hbm>>
        %dma_wait3A_447 = arith.constant 38400 : i32
        %dma_wait3A_448 = tpu.memref_slice %dma_wait3A_446[%dma_wait3A_447] : memref<100000xf32, #tpu.memory_space<hbm>> -> memref<12800xf32, #tpu.memory_space<hbm>>
        %dma_wait3A_449 = arith.constant 38400 : i32
        %dma_wait3A_450 = tpu.memref_slice %arg5[%dma_wait3A_449] : memref<100000xf32, #tpu.memory_space<vmem>> -> memref<12800xf32, #tpu.memory_space<vmem>>
        tpu.wait_dma2 semaphore(%arg16 : memref<!tpu.dma_semaphore, #tpu.memory_space<semaphore_mem>>) src(%dma_wait3A_450 : memref<12800xf32, #tpu.memory_space<vmem>>) dst(%dma_wait3A_448 : memref<12800xf32, #tpu.memory_space<hbm>>)
      } else {
      }
      %dma_start3A_224 = arith.constant 38400 : i32
      %dma_start3A_225 = tpu.memref_slice %arg5[%dma_start3A_224] : memref<100000xf32, #tpu.memory_space<vmem>> -> memref<12800xf32, #tpu.memory_space<vmem>>
      %dma_start3A_226 = arith.constant 0 : i32
      %dma_start3A_227 = tpu.memref_slice %arg2[%add3A_109, %dma_start3A_226] : memref<1024x100000xf32, #tpu.memory_space<hbm>> -> memref<1x100000xf32, #tpu.memory_space<hbm>>
      %dma_start3A_228 = tpu.memref_squeeze %dma_start3A_227 : memref<1x100000xf32, #tpu.memory_space<hbm>> -> memref<100000xf32, #tpu.memory_space<hbm>>
      %dma_start3A_229 = arith.constant 38400 : i32
      %dma_start3A_230 = tpu.memref_slice %dma_start3A_228[%dma_start3A_229] : memref<100000xf32, #tpu.memory_space<hbm>> -> memref<12800xf32, #tpu.memory_space<hbm>>
      %dma_start3A_231 = arith.constant 38400 : i32
      %dma_start3A_232 = tpu.memref_slice %arg5[%dma_start3A_231] : memref<100000xf32, #tpu.memory_space<vmem>> -> memref<12800xf32, #tpu.memory_space<vmem>>
      %dma_start3A_233 = arith.constant 0 : i32
      %dma_start3A_234 = tpu.memref_slice %arg2[%add3A_109, %dma_start3A_233] : memref<1024x100000xf32, #tpu.memory_space<hbm>> -> memref<1x100000xf32, #tpu.memory_space<hbm>>
      %dma_start3A_235 = tpu.memref_squeeze %dma_start3A_234 : memref<1x100000xf32, #tpu.memory_space<hbm>> -> memref<100000xf32, #tpu.memory_space<hbm>>
      %dma_start3A_236 = arith.constant 38400 : i32
      %dma_start3A_237 = tpu.memref_slice %dma_start3A_235[%dma_start3A_236] : memref<100000xf32, #tpu.memory_space<hbm>> -> memref<12800xf32, #tpu.memory_space<hbm>>
      tpu.enqueue_dma source(%dma_start3A_237 : memref<12800xf32, #tpu.memory_space<hbm>>) target(%dma_start3A_232 : memref<12800xf32, #tpu.memory_space<vmem>>) target_semaphore(%arg9 : memref<!tpu.dma_semaphore, #tpu.memory_space<semaphore_mem>>)
      %dma_wait3A_238 = arith.constant 25600 : i32
      %dma_wait3A_239 = tpu.memref_slice %arg5[%dma_wait3A_238] : memref<100000xf32, #tpu.memory_space<vmem>> -> memref<12800xf32, #tpu.memory_space<vmem>>
      %dma_wait3A_240 = arith.constant 0 : i32
      %dma_wait3A_241 = tpu.memref_slice %arg2[%add3A_109, %dma_wait3A_240] : memref<1024x100000xf32, #tpu.memory_space<hbm>> -> memref<1x100000xf32, #tpu.memory_space<hbm>>
      %dma_wait3A_242 = tpu.memref_squeeze %dma_wait3A_241 : memref<1x100000xf32, #tpu.memory_space<hbm>> -> memref<100000xf32, #tpu.memory_space<hbm>>
      %dma_wait3A_243 = arith.constant 25600 : i32
      %dma_wait3A_244 = tpu.memref_slice %dma_wait3A_242[%dma_wait3A_243] : memref<100000xf32, #tpu.memory_space<hbm>> -> memref<12800xf32, #tpu.memory_space<hbm>>
      %dma_wait3A_245 = arith.constant 25600 : i32
      %dma_wait3A_246 = tpu.memref_slice %arg5[%dma_wait3A_245] : memref<100000xf32, #tpu.memory_space<vmem>> -> memref<12800xf32, #tpu.memory_space<vmem>>
      %dma_wait3A_247 = arith.constant 0 : i32
      %dma_wait3A_248 = tpu.memref_slice %arg2[%add3A_109, %dma_wait3A_247] : memref<1024x100000xf32, #tpu.memory_space<hbm>> -> memref<1x100000xf32, #tpu.memory_space<hbm>>
      %dma_wait3A_249 = tpu.memref_squeeze %dma_wait3A_248 : memref<1x100000xf32, #tpu.memory_space<hbm>> -> memref<100000xf32, #tpu.memory_space<hbm>>
      %dma_wait3A_250 = arith.constant 25600 : i32
      %dma_wait3A_251 = tpu.memref_slice %dma_wait3A_249[%dma_wait3A_250] : memref<100000xf32, #tpu.memory_space<hbm>> -> memref<12800xf32, #tpu.memory_space<hbm>>
      tpu.wait_dma2 semaphore(%arg8 : memref<!tpu.dma_semaphore, #tpu.memory_space<semaphore_mem>>) src(%dma_wait3A_251 : memref<12800xf32, #tpu.memory_space<hbm>>) dst(%dma_wait3A_246 : memref<12800xf32, #tpu.memory_space<vmem>>)
      %dma_start3A_252 = arith.constant 25600 : i32
      %dma_start3A_253 = tpu.memref_slice %arg5[%dma_start3A_252] : memref<100000xf32, #tpu.memory_space<vmem>> -> memref<12800xf32, #tpu.memory_space<vmem>>
      %dma_start3A_254 = arith.constant 0 : i32
      %dma_start3A_255 = tpu.memref_slice %arg4[%add3A_109, %dma_start3A_254] : memref<1024x100000xf32, #tpu.memory_space<hbm>> -> memref<1x100000xf32, #tpu.memory_space<hbm>>
      %dma_start3A_256 = tpu.memref_squeeze %dma_start3A_255 : memref<1x100000xf32, #tpu.memory_space<hbm>> -> memref<100000xf32, #tpu.memory_space<hbm>>
      %dma_start3A_257 = arith.constant 25600 : i32
      %dma_start3A_258 = tpu.memref_slice %dma_start3A_256[%dma_start3A_257] : memref<100000xf32, #tpu.memory_space<hbm>> -> memref<12800xf32, #tpu.memory_space<hbm>>
      %dma_start3A_259 = arith.constant 0 : i32
      %dma_start3A_260 = tpu.memref_slice %arg4[%add3A_109, %dma_start3A_259] : memref<1024x100000xf32, #tpu.memory_space<hbm>> -> memref<1x100000xf32, #tpu.memory_space<hbm>>
      %dma_start3A_261 = tpu.memref_squeeze %dma_start3A_260 : memref<1x100000xf32, #tpu.memory_space<hbm>> -> memref<100000xf32, #tpu.memory_space<hbm>>
      %dma_start3A_262 = arith.constant 25600 : i32
      %dma_start3A_263 = tpu.memref_slice %dma_start3A_261[%dma_start3A_262] : memref<100000xf32, #tpu.memory_space<hbm>> -> memref<12800xf32, #tpu.memory_space<hbm>>
      %dma_start3A_264 = arith.constant 25600 : i32
      %dma_start3A_265 = tpu.memref_slice %arg5[%dma_start3A_264] : memref<100000xf32, #tpu.memory_space<vmem>> -> memref<12800xf32, #tpu.memory_space<vmem>>
      tpu.enqueue_dma source(%dma_start3A_265 : memref<12800xf32, #tpu.memory_space<vmem>>) target(%dma_start3A_263 : memref<12800xf32, #tpu.memory_space<hbm>>) target_semaphore(%arg15 : memref<!tpu.dma_semaphore, #tpu.memory_space<semaphore_mem>>)
      %gt3A_266 = arith.constant 0 : i32
      %gt3A_267 = arith.cmpi sgt, %scan3A_108, %gt3A_266 : i32
      %convert_element_type3A_268 = arith.extui %gt3A_267 : i1 to i32
      %cond3A_269 = arith.constant 0 : i32
      %cond3A_270 = arith.cmpi ne, %convert_element_type3A_268, %cond3A_269 : i32
      scf.if %cond3A_270 {
        %sub3A_435 = arith.constant 1 : i32
        %sub3A_436 = arith.subi %add3A_109, %sub3A_435 : i32
        %dma_wait3A_437 = arith.constant 51200 : i32
        %dma_wait3A_438 = tpu.memref_slice %arg5[%dma_wait3A_437] : memref<100000xf32, #tpu.memory_space<vmem>> -> memref<12800xf32, #tpu.memory_space<vmem>>
        %dma_wait3A_439 = arith.constant 0 : i32
        %dma_wait3A_440 = tpu.memref_slice %arg4[%sub3A_436, %dma_wait3A_439] : memref<1024x100000xf32, #tpu.memory_space<hbm>> -> memref<1x100000xf32, #tpu.memory_space<hbm>>
        %dma_wait3A_441 = tpu.memref_squeeze %dma_wait3A_440 : memref<1x100000xf32, #tpu.memory_space<hbm>> -> memref<100000xf32, #tpu.memory_space<hbm>>
        %dma_wait3A_442 = arith.constant 51200 : i32
        %dma_wait3A_443 = tpu.memref_slice %dma_wait3A_441[%dma_wait3A_442] : memref<100000xf32, #tpu.memory_space<hbm>> -> memref<12800xf32, #tpu.memory_space<hbm>>
        %dma_wait3A_444 = arith.constant 0 : i32
        %dma_wait3A_445 = tpu.memref_slice %arg4[%sub3A_436, %dma_wait3A_444] : memref<1024x100000xf32, #tpu.memory_space<hbm>> -> memref<1x100000xf32, #tpu.memory_space<hbm>>
        %dma_wait3A_446 = tpu.memref_squeeze %dma_wait3A_445 : memref<1x100000xf32, #tpu.memory_space<hbm>> -> memref<100000xf32, #tpu.memory_space<hbm>>
        %dma_wait3A_447 = arith.constant 51200 : i32
        %dma_wait3A_448 = tpu.memref_slice %dma_wait3A_446[%dma_wait3A_447] : memref<100000xf32, #tpu.memory_space<hbm>> -> memref<12800xf32, #tpu.memory_space<hbm>>
        %dma_wait3A_449 = arith.constant 51200 : i32
        %dma_wait3A_450 = tpu.memref_slice %arg5[%dma_wait3A_449] : memref<100000xf32, #tpu.memory_space<vmem>> -> memref<12800xf32, #tpu.memory_space<vmem>>
        tpu.wait_dma2 semaphore(%arg17 : memref<!tpu.dma_semaphore, #tpu.memory_space<semaphore_mem>>) src(%dma_wait3A_450 : memref<12800xf32, #tpu.memory_space<vmem>>) dst(%dma_wait3A_448 : memref<12800xf32, #tpu.memory_space<hbm>>)
      } else {
      }
      %dma_start3A_271 = arith.constant 51200 : i32
      %dma_start3A_272 = tpu.memref_slice %arg5[%dma_start3A_271] : memref<100000xf32, #tpu.memory_space<vmem>> -> memref<12800xf32, #tpu.memory_space<vmem>>
      %dma_start3A_273 = arith.constant 0 : i32
      %dma_start3A_274 = tpu.memref_slice %arg2[%add3A_109, %dma_start3A_273] : memref<1024x100000xf32, #tpu.memory_space<hbm>> -> memref<1x100000xf32, #tpu.memory_space<hbm>>
      %dma_start3A_275 = tpu.memref_squeeze %dma_start3A_274 : memref<1x100000xf32, #tpu.memory_space<hbm>> -> memref<100000xf32, #tpu.memory_space<hbm>>
      %dma_start3A_276 = arith.constant 51200 : i32
      %dma_start3A_277 = tpu.memref_slice %dma_start3A_275[%dma_start3A_276] : memref<100000xf32, #tpu.memory_space<hbm>> -> memref<12800xf32, #tpu.memory_space<hbm>>
      %dma_start3A_278 = arith.constant 51200 : i32
      %dma_start3A_279 = tpu.memref_slice %arg5[%dma_start3A_278] : memref<100000xf32, #tpu.memory_space<vmem>> -> memref<12800xf32, #tpu.memory_space<vmem>>
      %dma_start3A_280 = arith.constant 0 : i32
      %dma_start3A_281 = tpu.memref_slice %arg2[%add3A_109, %dma_start3A_280] : memref<1024x100000xf32, #tpu.memory_space<hbm>> -> memref<1x100000xf32, #tpu.memory_space<hbm>>
      %dma_start3A_282 = tpu.memref_squeeze %dma_start3A_281 : memref<1x100000xf32, #tpu.memory_space<hbm>> -> memref<100000xf32, #tpu.memory_space<hbm>>
      %dma_start3A_283 = arith.constant 51200 : i32
      %dma_start3A_284 = tpu.memref_slice %dma_start3A_282[%dma_start3A_283] : memref<100000xf32, #tpu.memory_space<hbm>> -> memref<12800xf32, #tpu.memory_space<hbm>>
      tpu.enqueue_dma source(%dma_start3A_284 : memref<12800xf32, #tpu.memory_space<hbm>>) target(%dma_start3A_279 : memref<12800xf32, #tpu.memory_space<vmem>>) target_semaphore(%arg10 : memref<!tpu.dma_semaphore, #tpu.memory_space<semaphore_mem>>)
      %dma_wait3A_285 = arith.constant 38400 : i32
      %dma_wait3A_286 = tpu.memref_slice %arg5[%dma_wait3A_285] : memref<100000xf32, #tpu.memory_space<vmem>> -> memref<12800xf32, #tpu.memory_space<vmem>>
      %dma_wait3A_287 = arith.constant 0 : i32
      %dma_wait3A_288 = tpu.memref_slice %arg2[%add3A_109, %dma_wait3A_287] : memref<1024x100000xf32, #tpu.memory_space<hbm>> -> memref<1x100000xf32, #tpu.memory_space<hbm>>
      %dma_wait3A_289 = tpu.memref_squeeze %dma_wait3A_288 : memref<1x100000xf32, #tpu.memory_space<hbm>> -> memref<100000xf32, #tpu.memory_space<hbm>>
      %dma_wait3A_290 = arith.constant 38400 : i32
      %dma_wait3A_291 = tpu.memref_slice %dma_wait3A_289[%dma_wait3A_290] : memref<100000xf32, #tpu.memory_space<hbm>> -> memref<12800xf32, #tpu.memory_space<hbm>>
      %dma_wait3A_292 = arith.constant 38400 : i32
      %dma_wait3A_293 = tpu.memref_slice %arg5[%dma_wait3A_292] : memref<100000xf32, #tpu.memory_space<vmem>> -> memref<12800xf32, #tpu.memory_space<vmem>>
      %dma_wait3A_294 = arith.constant 0 : i32
      %dma_wait3A_295 = tpu.memref_slice %arg2[%add3A_109, %dma_wait3A_294] : memref<1024x100000xf32, #tpu.memory_space<hbm>> -> memref<1x100000xf32, #tpu.memory_space<hbm>>
      %dma_wait3A_296 = tpu.memref_squeeze %dma_wait3A_295 : memref<1x100000xf32, #tpu.memory_space<hbm>> -> memref<100000xf32, #tpu.memory_space<hbm>>
      %dma_wait3A_297 = arith.constant 38400 : i32
      %dma_wait3A_298 = tpu.memref_slice %dma_wait3A_296[%dma_wait3A_297] : memref<100000xf32, #tpu.memory_space<hbm>> -> memref<12800xf32, #tpu.memory_space<hbm>>
      tpu.wait_dma2 semaphore(%arg9 : memref<!tpu.dma_semaphore, #tpu.memory_space<semaphore_mem>>) src(%dma_wait3A_298 : memref<12800xf32, #tpu.memory_space<hbm>>) dst(%dma_wait3A_293 : memref<12800xf32, #tpu.memory_space<vmem>>)
      %dma_start3A_299 = arith.constant 38400 : i32
      %dma_start3A_300 = tpu.memref_slice %arg5[%dma_start3A_299] : memref<100000xf32, #tpu.memory_space<vmem>> -> memref<12800xf32, #tpu.memory_space<vmem>>
      %dma_start3A_301 = arith.constant 0 : i32
      %dma_start3A_302 = tpu.memref_slice %arg4[%add3A_109, %dma_start3A_301] : memref<1024x100000xf32, #tpu.memory_space<hbm>> -> memref<1x100000xf32, #tpu.memory_space<hbm>>
      %dma_start3A_303 = tpu.memref_squeeze %dma_start3A_302 : memref<1x100000xf32, #tpu.memory_space<hbm>> -> memref<100000xf32, #tpu.memory_space<hbm>>
      %dma_start3A_304 = arith.constant 38400 : i32
      %dma_start3A_305 = tpu.memref_slice %dma_start3A_303[%dma_start3A_304] : memref<100000xf32, #tpu.memory_space<hbm>> -> memref<12800xf32, #tpu.memory_space<hbm>>
      %dma_start3A_306 = arith.constant 0 : i32
      %dma_start3A_307 = tpu.memref_slice %arg4[%add3A_109, %dma_start3A_306] : memref<1024x100000xf32, #tpu.memory_space<hbm>> -> memref<1x100000xf32, #tpu.memory_space<hbm>>
      %dma_start3A_308 = tpu.memref_squeeze %dma_start3A_307 : memref<1x100000xf32, #tpu.memory_space<hbm>> -> memref<100000xf32, #tpu.memory_space<hbm>>
      %dma_start3A_309 = arith.constant 38400 : i32
      %dma_start3A_310 = tpu.memref_slice %dma_start3A_308[%dma_start3A_309] : memref<100000xf32, #tpu.memory_space<hbm>> -> memref<12800xf32, #tpu.memory_space<hbm>>
      %dma_start3A_311 = arith.constant 38400 : i32
      %dma_start3A_312 = tpu.memref_slice %arg5[%dma_start3A_311] : memref<100000xf32, #tpu.memory_space<vmem>> -> memref<12800xf32, #tpu.memory_space<vmem>>
      tpu.enqueue_dma source(%dma_start3A_312 : memref<12800xf32, #tpu.memory_space<vmem>>) target(%dma_start3A_310 : memref<12800xf32, #tpu.memory_space<hbm>>) target_semaphore(%arg16 : memref<!tpu.dma_semaphore, #tpu.memory_space<semaphore_mem>>)
      %gt3A_313 = arith.constant 0 : i32
      %gt3A_314 = arith.cmpi sgt, %scan3A_108, %gt3A_313 : i32
      %convert_element_type3A_315 = arith.extui %gt3A_314 : i1 to i32
      %cond3A_316 = arith.constant 0 : i32
      %cond3A_317 = arith.cmpi ne, %convert_element_type3A_315, %cond3A_316 : i32
      scf.if %cond3A_317 {
        %sub3A_435 = arith.constant 1 : i32
        %sub3A_436 = arith.subi %add3A_109, %sub3A_435 : i32
        %dma_wait3A_437 = arith.constant 64000 : i32
        %dma_wait3A_438 = tpu.memref_slice %arg5[%dma_wait3A_437] : memref<100000xf32, #tpu.memory_space<vmem>> -> memref<12800xf32, #tpu.memory_space<vmem>>
        %dma_wait3A_439 = arith.constant 0 : i32
        %dma_wait3A_440 = tpu.memref_slice %arg4[%sub3A_436, %dma_wait3A_439] : memref<1024x100000xf32, #tpu.memory_space<hbm>> -> memref<1x100000xf32, #tpu.memory_space<hbm>>
        %dma_wait3A_441 = tpu.memref_squeeze %dma_wait3A_440 : memref<1x100000xf32, #tpu.memory_space<hbm>> -> memref<100000xf32, #tpu.memory_space<hbm>>
        %dma_wait3A_442 = arith.constant 64000 : i32
        %dma_wait3A_443 = tpu.memref_slice %dma_wait3A_441[%dma_wait3A_442] : memref<100000xf32, #tpu.memory_space<hbm>> -> memref<12800xf32, #tpu.memory_space<hbm>>
        %dma_wait3A_444 = arith.constant 0 : i32
        %dma_wait3A_445 = tpu.memref_slice %arg4[%sub3A_436, %dma_wait3A_444] : memref<1024x100000xf32, #tpu.memory_space<hbm>> -> memref<1x100000xf32, #tpu.memory_space<hbm>>
        %dma_wait3A_446 = tpu.memref_squeeze %dma_wait3A_445 : memref<1x100000xf32, #tpu.memory_space<hbm>> -> memref<100000xf32, #tpu.memory_space<hbm>>
        %dma_wait3A_447 = arith.constant 64000 : i32
        %dma_wait3A_448 = tpu.memref_slice %dma_wait3A_446[%dma_wait3A_447] : memref<100000xf32, #tpu.memory_space<hbm>> -> memref<12800xf32, #tpu.memory_space<hbm>>
        %dma_wait3A_449 = arith.constant 64000 : i32
        %dma_wait3A_450 = tpu.memref_slice %arg5[%dma_wait3A_449] : memref<100000xf32, #tpu.memory_space<vmem>> -> memref<12800xf32, #tpu.memory_space<vmem>>
        tpu.wait_dma2 semaphore(%arg18 : memref<!tpu.dma_semaphore, #tpu.memory_space<semaphore_mem>>) src(%dma_wait3A_450 : memref<12800xf32, #tpu.memory_space<vmem>>) dst(%dma_wait3A_448 : memref<12800xf32, #tpu.memory_space<hbm>>)
      } else {
      }
      %dma_start3A_318 = arith.constant 64000 : i32
      %dma_start3A_319 = tpu.memref_slice %arg5[%dma_start3A_318] : memref<100000xf32, #tpu.memory_space<vmem>> -> memref<12800xf32, #tpu.memory_space<vmem>>
      %dma_start3A_320 = arith.constant 0 : i32
      %dma_start3A_321 = tpu.memref_slice %arg2[%add3A_109, %dma_start3A_320] : memref<1024x100000xf32, #tpu.memory_space<hbm>> -> memref<1x100000xf32, #tpu.memory_space<hbm>>
      %dma_start3A_322 = tpu.memref_squeeze %dma_start3A_321 : memref<1x100000xf32, #tpu.memory_space<hbm>> -> memref<100000xf32, #tpu.memory_space<hbm>>
      %dma_start3A_323 = arith.constant 64000 : i32
      %dma_start3A_324 = tpu.memref_slice %dma_start3A_322[%dma_start3A_323] : memref<100000xf32, #tpu.memory_space<hbm>> -> memref<12800xf32, #tpu.memory_space<hbm>>
      %dma_start3A_325 = arith.constant 64000 : i32
      %dma_start3A_326 = tpu.memref_slice %arg5[%dma_start3A_325] : memref<100000xf32, #tpu.memory_space<vmem>> -> memref<12800xf32, #tpu.memory_space<vmem>>
      %dma_start3A_327 = arith.constant 0 : i32
      %dma_start3A_328 = tpu.memref_slice %arg2[%add3A_109, %dma_start3A_327] : memref<1024x100000xf32, #tpu.memory_space<hbm>> -> memref<1x100000xf32, #tpu.memory_space<hbm>>
      %dma_start3A_329 = tpu.memref_squeeze %dma_start3A_328 : memref<1x100000xf32, #tpu.memory_space<hbm>> -> memref<100000xf32, #tpu.memory_space<hbm>>
      %dma_start3A_330 = arith.constant 64000 : i32
      %dma_start3A_331 = tpu.memref_slice %dma_start3A_329[%dma_start3A_330] : memref<100000xf32, #tpu.memory_space<hbm>> -> memref<12800xf32, #tpu.memory_space<hbm>>
      tpu.enqueue_dma source(%dma_start3A_331 : memref<12800xf32, #tpu.memory_space<hbm>>) target(%dma_start3A_326 : memref<12800xf32, #tpu.memory_space<vmem>>) target_semaphore(%arg11 : memref<!tpu.dma_semaphore, #tpu.memory_space<semaphore_mem>>)
      %dma_wait3A_332 = arith.constant 51200 : i32
      %dma_wait3A_333 = tpu.memref_slice %arg5[%dma_wait3A_332] : memref<100000xf32, #tpu.memory_space<vmem>> -> memref<12800xf32, #tpu.memory_space<vmem>>
      %dma_wait3A_334 = arith.constant 0 : i32
      %dma_wait3A_335 = tpu.memref_slice %arg2[%add3A_109, %dma_wait3A_334] : memref<1024x100000xf32, #tpu.memory_space<hbm>> -> memref<1x100000xf32, #tpu.memory_space<hbm>>
      %dma_wait3A_336 = tpu.memref_squeeze %dma_wait3A_335 : memref<1x100000xf32, #tpu.memory_space<hbm>> -> memref<100000xf32, #tpu.memory_space<hbm>>
      %dma_wait3A_337 = arith.constant 51200 : i32
      %dma_wait3A_338 = tpu.memref_slice %dma_wait3A_336[%dma_wait3A_337] : memref<100000xf32, #tpu.memory_space<hbm>> -> memref<12800xf32, #tpu.memory_space<hbm>>
      %dma_wait3A_339 = arith.constant 51200 : i32
      %dma_wait3A_340 = tpu.memref_slice %arg5[%dma_wait3A_339] : memref<100000xf32, #tpu.memory_space<vmem>> -> memref<12800xf32, #tpu.memory_space<vmem>>
      %dma_wait3A_341 = arith.constant 0 : i32
      %dma_wait3A_342 = tpu.memref_slice %arg2[%add3A_109, %dma_wait3A_341] : memref<1024x100000xf32, #tpu.memory_space<hbm>> -> memref<1x100000xf32, #tpu.memory_space<hbm>>
      %dma_wait3A_343 = tpu.memref_squeeze %dma_wait3A_342 : memref<1x100000xf32, #tpu.memory_space<hbm>> -> memref<100000xf32, #tpu.memory_space<hbm>>
      %dma_wait3A_344 = arith.constant 51200 : i32
      %dma_wait3A_345 = tpu.memref_slice %dma_wait3A_343[%dma_wait3A_344] : memref<100000xf32, #tpu.memory_space<hbm>> -> memref<12800xf32, #tpu.memory_space<hbm>>
      tpu.wait_dma2 semaphore(%arg10 : memref<!tpu.dma_semaphore, #tpu.memory_space<semaphore_mem>>) src(%dma_wait3A_345 : memref<12800xf32, #tpu.memory_space<hbm>>) dst(%dma_wait3A_340 : memref<12800xf32, #tpu.memory_space<vmem>>)
      %dma_start3A_346 = arith.constant 51200 : i32
      %dma_start3A_347 = tpu.memref_slice %arg5[%dma_start3A_346] : memref<100000xf32, #tpu.memory_space<vmem>> -> memref<12800xf32, #tpu.memory_space<vmem>>
      %dma_start3A_348 = arith.constant 0 : i32
      %dma_start3A_349 = tpu.memref_slice %arg4[%add3A_109, %dma_start3A_348] : memref<1024x100000xf32, #tpu.memory_space<hbm>> -> memref<1x100000xf32, #tpu.memory_space<hbm>>
      %dma_start3A_350 = tpu.memref_squeeze %dma_start3A_349 : memref<1x100000xf32, #tpu.memory_space<hbm>> -> memref<100000xf32, #tpu.memory_space<hbm>>
      %dma_start3A_351 = arith.constant 51200 : i32
      %dma_start3A_352 = tpu.memref_slice %dma_start3A_350[%dma_start3A_351] : memref<100000xf32, #tpu.memory_space<hbm>> -> memref<12800xf32, #tpu.memory_space<hbm>>
      %dma_start3A_353 = arith.constant 0 : i32
      %dma_start3A_354 = tpu.memref_slice %arg4[%add3A_109, %dma_start3A_353] : memref<1024x100000xf32, #tpu.memory_space<hbm>> -> memref<1x100000xf32, #tpu.memory_space<hbm>>
      %dma_start3A_355 = tpu.memref_squeeze %dma_start3A_354 : memref<1x100000xf32, #tpu.memory_space<hbm>> -> memref<100000xf32, #tpu.memory_space<hbm>>
      %dma_start3A_356 = arith.constant 51200 : i32
      %dma_start3A_357 = tpu.memref_slice %dma_start3A_355[%dma_start3A_356] : memref<100000xf32, #tpu.memory_space<hbm>> -> memref<12800xf32, #tpu.memory_space<hbm>>
      %dma_start3A_358 = arith.constant 51200 : i32
      %dma_start3A_359 = tpu.memref_slice %arg5[%dma_start3A_358] : memref<100000xf32, #tpu.memory_space<vmem>> -> memref<12800xf32, #tpu.memory_space<vmem>>
      tpu.enqueue_dma source(%dma_start3A_359 : memref<12800xf32, #tpu.memory_space<vmem>>) target(%dma_start3A_357 : memref<12800xf32, #tpu.memory_space<hbm>>) target_semaphore(%arg17 : memref<!tpu.dma_semaphore, #tpu.memory_space<semaphore_mem>>)
      %gt3A_360 = arith.constant 0 : i32
      %gt3A_361 = arith.cmpi sgt, %scan3A_108, %gt3A_360 : i32
      %convert_element_type3A_362 = arith.extui %gt3A_361 : i1 to i32
      %cond3A_363 = arith.constant 0 : i32
      %cond3A_364 = arith.cmpi ne, %convert_element_type3A_362, %cond3A_363 : i32
      scf.if %cond3A_364 {
        %sub3A_435 = arith.constant 1 : i32
        %sub3A_436 = arith.subi %add3A_109, %sub3A_435 : i32
        %dma_wait3A_437 = arith.constant 76800 : i32
        %dma_wait3A_438 = tpu.memref_slice %arg5[%dma_wait3A_437] : memref<100000xf32, #tpu.memory_space<vmem>> -> memref<12800xf32, #tpu.memory_space<vmem>>
        %dma_wait3A_439 = arith.constant 0 : i32
        %dma_wait3A_440 = tpu.memref_slice %arg4[%sub3A_436, %dma_wait3A_439] : memref<1024x100000xf32, #tpu.memory_space<hbm>> -> memref<1x100000xf32, #tpu.memory_space<hbm>>
        %dma_wait3A_441 = tpu.memref_squeeze %dma_wait3A_440 : memref<1x100000xf32, #tpu.memory_space<hbm>> -> memref<100000xf32, #tpu.memory_space<hbm>>
        %dma_wait3A_442 = arith.constant 76800 : i32
        %dma_wait3A_443 = tpu.memref_slice %dma_wait3A_441[%dma_wait3A_442] : memref<100000xf32, #tpu.memory_space<hbm>> -> memref<12800xf32, #tpu.memory_space<hbm>>
        %dma_wait3A_444 = arith.constant 0 : i32
        %dma_wait3A_445 = tpu.memref_slice %arg4[%sub3A_436, %dma_wait3A_444] : memref<1024x100000xf32, #tpu.memory_space<hbm>> -> memref<1x100000xf32, #tpu.memory_space<hbm>>
        %dma_wait3A_446 = tpu.memref_squeeze %dma_wait3A_445 : memref<1x100000xf32, #tpu.memory_space<hbm>> -> memref<100000xf32, #tpu.memory_space<hbm>>
        %dma_wait3A_447 = arith.constant 76800 : i32
        %dma_wait3A_448 = tpu.memref_slice %dma_wait3A_446[%dma_wait3A_447] : memref<100000xf32, #tpu.memory_space<hbm>> -> memref<12800xf32, #tpu.memory_space<hbm>>
        %dma_wait3A_449 = arith.constant 76800 : i32
        %dma_wait3A_450 = tpu.memref_slice %arg5[%dma_wait3A_449] : memref<100000xf32, #tpu.memory_space<vmem>> -> memref<12800xf32, #tpu.memory_space<vmem>>
        tpu.wait_dma2 semaphore(%arg19 : memref<!tpu.dma_semaphore, #tpu.memory_space<semaphore_mem>>) src(%dma_wait3A_450 : memref<12800xf32, #tpu.memory_space<vmem>>) dst(%dma_wait3A_448 : memref<12800xf32, #tpu.memory_space<hbm>>)
      } else {
      }
      %dma_start3A_365 = arith.constant 76800 : i32
      %dma_start3A_366 = tpu.memref_slice %arg5[%dma_start3A_365] : memref<100000xf32, #tpu.memory_space<vmem>> -> memref<12800xf32, #tpu.memory_space<vmem>>
      %dma_start3A_367 = arith.constant 0 : i32
      %dma_start3A_368 = tpu.memref_slice %arg2[%add3A_109, %dma_start3A_367] : memref<1024x100000xf32, #tpu.memory_space<hbm>> -> memref<1x100000xf32, #tpu.memory_space<hbm>>
      %dma_start3A_369 = tpu.memref_squeeze %dma_start3A_368 : memref<1x100000xf32, #tpu.memory_space<hbm>> -> memref<100000xf32, #tpu.memory_space<hbm>>
      %dma_start3A_370 = arith.constant 76800 : i32
      %dma_start3A_371 = tpu.memref_slice %dma_start3A_369[%dma_start3A_370] : memref<100000xf32, #tpu.memory_space<hbm>> -> memref<12800xf32, #tpu.memory_space<hbm>>
      %dma_start3A_372 = arith.constant 76800 : i32
      %dma_start3A_373 = tpu.memref_slice %arg5[%dma_start3A_372] : memref<100000xf32, #tpu.memory_space<vmem>> -> memref<12800xf32, #tpu.memory_space<vmem>>
      %dma_start3A_374 = arith.constant 0 : i32
      %dma_start3A_375 = tpu.memref_slice %arg2[%add3A_109, %dma_start3A_374] : memref<1024x100000xf32, #tpu.memory_space<hbm>> -> memref<1x100000xf32, #tpu.memory_space<hbm>>
      %dma_start3A_376 = tpu.memref_squeeze %dma_start3A_375 : memref<1x100000xf32, #tpu.memory_space<hbm>> -> memref<100000xf32, #tpu.memory_space<hbm>>
      %dma_start3A_377 = arith.constant 76800 : i32
      %dma_start3A_378 = tpu.memref_slice %dma_start3A_376[%dma_start3A_377] : memref<100000xf32, #tpu.memory_space<hbm>> -> memref<12800xf32, #tpu.memory_space<hbm>>
      tpu.enqueue_dma source(%dma_start3A_378 : memref<12800xf32, #tpu.memory_space<hbm>>) target(%dma_start3A_373 : memref<12800xf32, #tpu.memory_space<vmem>>) target_semaphore(%arg12 : memref<!tpu.dma_semaphore, #tpu.memory_space<semaphore_mem>>)
      %dma_wait3A_379 = arith.constant 64000 : i32
      %dma_wait3A_380 = tpu.memref_slice %arg5[%dma_wait3A_379] : memref<100000xf32, #tpu.memory_space<vmem>> -> memref<12800xf32, #tpu.memory_space<vmem>>
      %dma_wait3A_381 = arith.constant 0 : i32
      %dma_wait3A_382 = tpu.memref_slice %arg2[%add3A_109, %dma_wait3A_381] : memref<1024x100000xf32, #tpu.memory_space<hbm>> -> memref<1x100000xf32, #tpu.memory_space<hbm>>
      %dma_wait3A_383 = tpu.memref_squeeze %dma_wait3A_382 : memref<1x100000xf32, #tpu.memory_space<hbm>> -> memref<100000xf32, #tpu.memory_space<hbm>>
      %dma_wait3A_384 = arith.constant 64000 : i32
      %dma_wait3A_385 = tpu.memref_slice %dma_wait3A_383[%dma_wait3A_384] : memref<100000xf32, #tpu.memory_space<hbm>> -> memref<12800xf32, #tpu.memory_space<hbm>>
      %dma_wait3A_386 = arith.constant 64000 : i32
      %dma_wait3A_387 = tpu.memref_slice %arg5[%dma_wait3A_386] : memref<100000xf32, #tpu.memory_space<vmem>> -> memref<12800xf32, #tpu.memory_space<vmem>>
      %dma_wait3A_388 = arith.constant 0 : i32
      %dma_wait3A_389 = tpu.memref_slice %arg2[%add3A_109, %dma_wait3A_388] : memref<1024x100000xf32, #tpu.memory_space<hbm>> -> memref<1x100000xf32, #tpu.memory_space<hbm>>
      %dma_wait3A_390 = tpu.memref_squeeze %dma_wait3A_389 : memref<1x100000xf32, #tpu.memory_space<hbm>> -> memref<100000xf32, #tpu.memory_space<hbm>>
      %dma_wait3A_391 = arith.constant 64000 : i32
      %dma_wait3A_392 = tpu.memref_slice %dma_wait3A_390[%dma_wait3A_391] : memref<100000xf32, #tpu.memory_space<hbm>> -> memref<12800xf32, #tpu.memory_space<hbm>>
      tpu.wait_dma2 semaphore(%arg11 : memref<!tpu.dma_semaphore, #tpu.memory_space<semaphore_mem>>) src(%dma_wait3A_392 : memref<12800xf32, #tpu.memory_space<hbm>>) dst(%dma_wait3A_387 : memref<12800xf32, #tpu.memory_space<vmem>>)
      %dma_start3A_393 = arith.constant 64000 : i32
      %dma_start3A_394 = tpu.memref_slice %arg5[%dma_start3A_393] : memref<100000xf32, #tpu.memory_space<vmem>> -> memref<12800xf32, #tpu.memory_space<vmem>>
      %dma_start3A_395 = arith.constant 0 : i32
      %dma_start3A_396 = tpu.memref_slice %arg4[%add3A_109, %dma_start3A_395] : memref<1024x100000xf32, #tpu.memory_space<hbm>> -> memref<1x100000xf32, #tpu.memory_space<hbm>>
      %dma_start3A_397 = tpu.memref_squeeze %dma_start3A_396 : memref<1x100000xf32, #tpu.memory_space<hbm>> -> memref<100000xf32, #tpu.memory_space<hbm>>
      %dma_start3A_398 = arith.constant 64000 : i32
      %dma_start3A_399 = tpu.memref_slice %dma_start3A_397[%dma_start3A_398] : memref<100000xf32, #tpu.memory_space<hbm>> -> memref<12800xf32, #tpu.memory_space<hbm>>
      %dma_start3A_400 = arith.constant 0 : i32
      %dma_start3A_401 = tpu.memref_slice %arg4[%add3A_109, %dma_start3A_400] : memref<1024x100000xf32, #tpu.memory_space<hbm>> -> memref<1x100000xf32, #tpu.memory_space<hbm>>
      %dma_start3A_402 = tpu.memref_squeeze %dma_start3A_401 : memref<1x100000xf32, #tpu.memory_space<hbm>> -> memref<100000xf32, #tpu.memory_space<hbm>>
      %dma_start3A_403 = arith.constant 64000 : i32
      %dma_start3A_404 = tpu.memref_slice %dma_start3A_402[%dma_start3A_403] : memref<100000xf32, #tpu.memory_space<hbm>> -> memref<12800xf32, #tpu.memory_space<hbm>>
      %dma_start3A_405 = arith.constant 64000 : i32
      %dma_start3A_406 = tpu.memref_slice %arg5[%dma_start3A_405] : memref<100000xf32, #tpu.memory_space<vmem>> -> memref<12800xf32, #tpu.memory_space<vmem>>
      tpu.enqueue_dma source(%dma_start3A_406 : memref<12800xf32, #tpu.memory_space<vmem>>) target(%dma_start3A_404 : memref<12800xf32, #tpu.memory_space<hbm>>) target_semaphore(%arg18 : memref<!tpu.dma_semaphore, #tpu.memory_space<semaphore_mem>>)
      %dma_wait3A_407 = arith.constant 76800 : i32
      %dma_wait3A_408 = tpu.memref_slice %arg5[%dma_wait3A_407] : memref<100000xf32, #tpu.memory_space<vmem>> -> memref<12800xf32, #tpu.memory_space<vmem>>
      %dma_wait3A_409 = arith.constant 0 : i32
      %dma_wait3A_410 = tpu.memref_slice %arg2[%add3A_109, %dma_wait3A_409] : memref<1024x100000xf32, #tpu.memory_space<hbm>> -> memref<1x100000xf32, #tpu.memory_space<hbm>>
      %dma_wait3A_411 = tpu.memref_squeeze %dma_wait3A_410 : memref<1x100000xf32, #tpu.memory_space<hbm>> -> memref<100000xf32, #tpu.memory_space<hbm>>
      %dma_wait3A_412 = arith.constant 76800 : i32
      %dma_wait3A_413 = tpu.memref_slice %dma_wait3A_411[%dma_wait3A_412] : memref<100000xf32, #tpu.memory_space<hbm>> -> memref<12800xf32, #tpu.memory_space<hbm>>
      %dma_wait3A_414 = arith.constant 76800 : i32
      %dma_wait3A_415 = tpu.memref_slice %arg5[%dma_wait3A_414] : memref<100000xf32, #tpu.memory_space<vmem>> -> memref<12800xf32, #tpu.memory_space<vmem>>
      %dma_wait3A_416 = arith.constant 0 : i32
      %dma_wait3A_417 = tpu.memref_slice %arg2[%add3A_109, %dma_wait3A_416] : memref<1024x100000xf32, #tpu.memory_space<hbm>> -> memref<1x100000xf32, #tpu.memory_space<hbm>>
      %dma_wait3A_418 = tpu.memref_squeeze %dma_wait3A_417 : memref<1x100000xf32, #tpu.memory_space<hbm>> -> memref<100000xf32, #tpu.memory_space<hbm>>
      %dma_wait3A_419 = arith.constant 76800 : i32
      %dma_wait3A_420 = tpu.memref_slice %dma_wait3A_418[%dma_wait3A_419] : memref<100000xf32, #tpu.memory_space<hbm>> -> memref<12800xf32, #tpu.memory_space<hbm>>
      tpu.wait_dma2 semaphore(%arg12 : memref<!tpu.dma_semaphore, #tpu.memory_space<semaphore_mem>>) src(%dma_wait3A_420 : memref<12800xf32, #tpu.memory_space<hbm>>) dst(%dma_wait3A_415 : memref<12800xf32, #tpu.memory_space<vmem>>)
      %dma_start3A_421 = arith.constant 76800 : i32
      %dma_start3A_422 = tpu.memref_slice %arg5[%dma_start3A_421] : memref<100000xf32, #tpu.memory_space<vmem>> -> memref<12800xf32, #tpu.memory_space<vmem>>
      %dma_start3A_423 = arith.constant 0 : i32
      %dma_start3A_424 = tpu.memref_slice %arg4[%add3A_109, %dma_start3A_423] : memref<1024x100000xf32, #tpu.memory_space<hbm>> -> memref<1x100000xf32, #tpu.memory_space<hbm>>
      %dma_start3A_425 = tpu.memref_squeeze %dma_start3A_424 : memref<1x100000xf32, #tpu.memory_space<hbm>> -> memref<100000xf32, #tpu.memory_space<hbm>>
      %dma_start3A_426 = arith.constant 76800 : i32
      %dma_start3A_427 = tpu.memref_slice %dma_start3A_425[%dma_start3A_426] : memref<100000xf32, #tpu.memory_space<hbm>> -> memref<12800xf32, #tpu.memory_space<hbm>>
      %dma_start3A_428 = arith.constant 0 : i32
      %dma_start3A_429 = tpu.memref_slice %arg4[%add3A_109, %dma_start3A_428] : memref<1024x100000xf32, #tpu.memory_space<hbm>> -> memref<1x100000xf32, #tpu.memory_space<hbm>>
      %dma_start3A_430 = tpu.memref_squeeze %dma_start3A_429 : memref<1x100000xf32, #tpu.memory_space<hbm>> -> memref<100000xf32, #tpu.memory_space<hbm>>
      %dma_start3A_431 = arith.constant 76800 : i32
      %dma_start3A_432 = tpu.memref_slice %dma_start3A_430[%dma_start3A_431] : memref<100000xf32, #tpu.memory_space<hbm>> -> memref<12800xf32, #tpu.memory_space<hbm>>
      %dma_start3A_433 = arith.constant 76800 : i32
      %dma_start3A_434 = tpu.memref_slice %arg5[%dma_start3A_433] : memref<100000xf32, #tpu.memory_space<vmem>> -> memref<12800xf32, #tpu.memory_space<vmem>>
      tpu.enqueue_dma source(%dma_start3A_434 : memref<12800xf32, #tpu.memory_space<vmem>>) target(%dma_start3A_432 : memref<12800xf32, #tpu.memory_space<hbm>>) target_semaphore(%arg19 : memref<!tpu.dma_semaphore, #tpu.memory_space<semaphore_mem>>)
    }
    %scan3A_7 = arith.constant 32 : i32
    %add3A_8 = arith.constant 32 : i32
    %add3A_9 = arith.addi %mul3A_2, %add3A_8 : i32
    %sub3A = arith.constant 1 : i32
    %sub3A_10 = arith.subi %add3A_9, %sub3A : i32
    %dma_wait3A = arith.constant 0 : i32
    %dma_wait3A_11 = tpu.memref_slice %arg5[%dma_wait3A] : memref<100000xf32, #tpu.memory_space<vmem>> -> memref<12800xf32, #tpu.memory_space<vmem>>
    %dma_wait3A_12 = arith.constant 0 : i32
    %dma_wait3A_13 = tpu.memref_slice %arg4[%sub3A_10, %dma_wait3A_12] : memref<1024x100000xf32, #tpu.memory_space<hbm>> -> memref<1x100000xf32, #tpu.memory_space<hbm>>
    %dma_wait3A_14 = tpu.memref_squeeze %dma_wait3A_13 : memref<1x100000xf32, #tpu.memory_space<hbm>> -> memref<100000xf32, #tpu.memory_space<hbm>>
    %dma_wait3A_15 = arith.constant 0 : i32
    %dma_wait3A_16 = tpu.memref_slice %dma_wait3A_14[%dma_wait3A_15] : memref<100000xf32, #tpu.memory_space<hbm>> -> memref<12800xf32, #tpu.memory_space<hbm>>
    %dma_wait3A_17 = arith.constant 0 : i32
    %dma_wait3A_18 = tpu.memref_slice %arg4[%sub3A_10, %dma_wait3A_17] : memref<1024x100000xf32, #tpu.memory_space<hbm>> -> memref<1x100000xf32, #tpu.memory_space<hbm>>
    %dma_wait3A_19 = tpu.memref_squeeze %dma_wait3A_18 : memref<1x100000xf32, #tpu.memory_space<hbm>> -> memref<100000xf32, #tpu.memory_space<hbm>>
    %dma_wait3A_20 = arith.constant 0 : i32
    %dma_wait3A_21 = tpu.memref_slice %dma_wait3A_19[%dma_wait3A_20] : memref<100000xf32, #tpu.memory_space<hbm>> -> memref<12800xf32, #tpu.memory_space<hbm>>
    %dma_wait3A_22 = arith.constant 0 : i32
    %dma_wait3A_23 = tpu.memref_slice %arg5[%dma_wait3A_22] : memref<100000xf32, #tpu.memory_space<vmem>> -> memref<12800xf32, #tpu.memory_space<vmem>>
    tpu.wait_dma2 semaphore(%arg13 : memref<!tpu.dma_semaphore, #tpu.memory_space<semaphore_mem>>) src(%dma_wait3A_23 : memref<12800xf32, #tpu.memory_space<vmem>>) dst(%dma_wait3A_21 : memref<12800xf32, #tpu.memory_space<hbm>>)
    %dma_wait3A_24 = arith.constant 12800 : i32
    %dma_wait3A_25 = tpu.memref_slice %arg5[%dma_wait3A_24] : memref<100000xf32, #tpu.memory_space<vmem>> -> memref<12800xf32, #tpu.memory_space<vmem>>
    %dma_wait3A_26 = arith.constant 0 : i32
    %dma_wait3A_27 = tpu.memref_slice %arg4[%sub3A_10, %dma_wait3A_26] : memref<1024x100000xf32, #tpu.memory_space<hbm>> -> memref<1x100000xf32, #tpu.memory_space<hbm>>
    %dma_wait3A_28 = tpu.memref_squeeze %dma_wait3A_27 : memref<1x100000xf32, #tpu.memory_space<hbm>> -> memref<100000xf32, #tpu.memory_space<hbm>>
    %dma_wait3A_29 = arith.constant 12800 : i32
    %dma_wait3A_30 = tpu.memref_slice %dma_wait3A_28[%dma_wait3A_29] : memref<100000xf32, #tpu.memory_space<hbm>> -> memref<12800xf32, #tpu.memory_space<hbm>>
    %dma_wait3A_31 = arith.constant 0 : i32
    %dma_wait3A_32 = tpu.memref_slice %arg4[%sub3A_10, %dma_wait3A_31] : memref<1024x100000xf32, #tpu.memory_space<hbm>> -> memref<1x100000xf32, #tpu.memory_space<hbm>>
    %dma_wait3A_33 = tpu.memref_squeeze %dma_wait3A_32 : memref<1x100000xf32, #tpu.memory_space<hbm>> -> memref<100000xf32, #tpu.memory_space<hbm>>
    %dma_wait3A_34 = arith.constant 12800 : i32
    %dma_wait3A_35 = tpu.memref_slice %dma_wait3A_33[%dma_wait3A_34] : memref<100000xf32, #tpu.memory_space<hbm>> -> memref<12800xf32, #tpu.memory_space<hbm>>
    %dma_wait3A_36 = arith.constant 12800 : i32
    %dma_wait3A_37 = tpu.memref_slice %arg5[%dma_wait3A_36] : memref<100000xf32, #tpu.memory_space<vmem>> -> memref<12800xf32, #tpu.memory_space<vmem>>
    tpu.wait_dma2 semaphore(%arg14 : memref<!tpu.dma_semaphore, #tpu.memory_space<semaphore_mem>>) src(%dma_wait3A_37 : memref<12800xf32, #tpu.memory_space<vmem>>) dst(%dma_wait3A_35 : memref<12800xf32, #tpu.memory_space<hbm>>)
    %dma_wait3A_38 = arith.constant 25600 : i32
    %dma_wait3A_39 = tpu.memref_slice %arg5[%dma_wait3A_38] : memref<100000xf32, #tpu.memory_space<vmem>> -> memref<12800xf32, #tpu.memory_space<vmem>>
    %dma_wait3A_40 = arith.constant 0 : i32
    %dma_wait3A_41 = tpu.memref_slice %arg4[%sub3A_10, %dma_wait3A_40] : memref<1024x100000xf32, #tpu.memory_space<hbm>> -> memref<1x100000xf32, #tpu.memory_space<hbm>>
    %dma_wait3A_42 = tpu.memref_squeeze %dma_wait3A_41 : memref<1x100000xf32, #tpu.memory_space<hbm>> -> memref<100000xf32, #tpu.memory_space<hbm>>
    %dma_wait3A_43 = arith.constant 25600 : i32
    %dma_wait3A_44 = tpu.memref_slice %dma_wait3A_42[%dma_wait3A_43] : memref<100000xf32, #tpu.memory_space<hbm>> -> memref<12800xf32, #tpu.memory_space<hbm>>
    %dma_wait3A_45 = arith.constant 0 : i32
    %dma_wait3A_46 = tpu.memref_slice %arg4[%sub3A_10, %dma_wait3A_45] : memref<1024x100000xf32, #tpu.memory_space<hbm>> -> memref<1x100000xf32, #tpu.memory_space<hbm>>
    %dma_wait3A_47 = tpu.memref_squeeze %dma_wait3A_46 : memref<1x100000xf32, #tpu.memory_space<hbm>> -> memref<100000xf32, #tpu.memory_space<hbm>>
    %dma_wait3A_48 = arith.constant 25600 : i32
    %dma_wait3A_49 = tpu.memref_slice %dma_wait3A_47[%dma_wait3A_48] : memref<100000xf32, #tpu.memory_space<hbm>> -> memref<12800xf32, #tpu.memory_space<hbm>>
    %dma_wait3A_50 = arith.constant 25600 : i32
    %dma_wait3A_51 = tpu.memref_slice %arg5[%dma_wait3A_50] : memref<100000xf32, #tpu.memory_space<vmem>> -> memref<12800xf32, #tpu.memory_space<vmem>>
    tpu.wait_dma2 semaphore(%arg15 : memref<!tpu.dma_semaphore, #tpu.memory_space<semaphore_mem>>) src(%dma_wait3A_51 : memref<12800xf32, #tpu.memory_space<vmem>>) dst(%dma_wait3A_49 : memref<12800xf32, #tpu.memory_space<hbm>>)
    %dma_wait3A_52 = arith.constant 38400 : i32
    %dma_wait3A_53 = tpu.memref_slice %arg5[%dma_wait3A_52] : memref<100000xf32, #tpu.memory_space<vmem>> -> memref<12800xf32, #tpu.memory_space<vmem>>
    %dma_wait3A_54 = arith.constant 0 : i32
    %dma_wait3A_55 = tpu.memref_slice %arg4[%sub3A_10, %dma_wait3A_54] : memref<1024x100000xf32, #tpu.memory_space<hbm>> -> memref<1x100000xf32, #tpu.memory_space<hbm>>
    %dma_wait3A_56 = tpu.memref_squeeze %dma_wait3A_55 : memref<1x100000xf32, #tpu.memory_space<hbm>> -> memref<100000xf32, #tpu.memory_space<hbm>>
    %dma_wait3A_57 = arith.constant 38400 : i32
    %dma_wait3A_58 = tpu.memref_slice %dma_wait3A_56[%dma_wait3A_57] : memref<100000xf32, #tpu.memory_space<hbm>> -> memref<12800xf32, #tpu.memory_space<hbm>>
    %dma_wait3A_59 = arith.constant 0 : i32
    %dma_wait3A_60 = tpu.memref_slice %arg4[%sub3A_10, %dma_wait3A_59] : memref<1024x100000xf32, #tpu.memory_space<hbm>> -> memref<1x100000xf32, #tpu.memory_space<hbm>>
    %dma_wait3A_61 = tpu.memref_squeeze %dma_wait3A_60 : memref<1x100000xf32, #tpu.memory_space<hbm>> -> memref<100000xf32, #tpu.memory_space<hbm>>
    %dma_wait3A_62 = arith.constant 38400 : i32
    %dma_wait3A_63 = tpu.memref_slice %dma_wait3A_61[%dma_wait3A_62] : memref<100000xf32, #tpu.memory_space<hbm>> -> memref<12800xf32, #tpu.memory_space<hbm>>
    %dma_wait3A_64 = arith.constant 38400 : i32
    %dma_wait3A_65 = tpu.memref_slice %arg5[%dma_wait3A_64] : memref<100000xf32, #tpu.memory_space<vmem>> -> memref<12800xf32, #tpu.memory_space<vmem>>
    tpu.wait_dma2 semaphore(%arg16 : memref<!tpu.dma_semaphore, #tpu.memory_space<semaphore_mem>>) src(%dma_wait3A_65 : memref<12800xf32, #tpu.memory_space<vmem>>) dst(%dma_wait3A_63 : memref<12800xf32, #tpu.memory_space<hbm>>)
    %dma_wait3A_66 = arith.constant 51200 : i32
    %dma_wait3A_67 = tpu.memref_slice %arg5[%dma_wait3A_66] : memref<100000xf32, #tpu.memory_space<vmem>> -> memref<12800xf32, #tpu.memory_space<vmem>>
    %dma_wait3A_68 = arith.constant 0 : i32
    %dma_wait3A_69 = tpu.memref_slice %arg4[%sub3A_10, %dma_wait3A_68] : memref<1024x100000xf32, #tpu.memory_space<hbm>> -> memref<1x100000xf32, #tpu.memory_space<hbm>>
    %dma_wait3A_70 = tpu.memref_squeeze %dma_wait3A_69 : memref<1x100000xf32, #tpu.memory_space<hbm>> -> memref<100000xf32, #tpu.memory_space<hbm>>
    %dma_wait3A_71 = arith.constant 51200 : i32
    %dma_wait3A_72 = tpu.memref_slice %dma_wait3A_70[%dma_wait3A_71] : memref<100000xf32, #tpu.memory_space<hbm>> -> memref<12800xf32, #tpu.memory_space<hbm>>
    %dma_wait3A_73 = arith.constant 0 : i32
    %dma_wait3A_74 = tpu.memref_slice %arg4[%sub3A_10, %dma_wait3A_73] : memref<1024x100000xf32, #tpu.memory_space<hbm>> -> memref<1x100000xf32, #tpu.memory_space<hbm>>
    %dma_wait3A_75 = tpu.memref_squeeze %dma_wait3A_74 : memref<1x100000xf32, #tpu.memory_space<hbm>> -> memref<100000xf32, #tpu.memory_space<hbm>>
    %dma_wait3A_76 = arith.constant 51200 : i32
    %dma_wait3A_77 = tpu.memref_slice %dma_wait3A_75[%dma_wait3A_76] : memref<100000xf32, #tpu.memory_space<hbm>> -> memref<12800xf32, #tpu.memory_space<hbm>>
    %dma_wait3A_78 = arith.constant 51200 : i32
    %dma_wait3A_79 = tpu.memref_slice %arg5[%dma_wait3A_78] : memref<100000xf32, #tpu.memory_space<vmem>> -> memref<12800xf32, #tpu.memory_space<vmem>>
    tpu.wait_dma2 semaphore(%arg17 : memref<!tpu.dma_semaphore, #tpu.memory_space<semaphore_mem>>) src(%dma_wait3A_79 : memref<12800xf32, #tpu.memory_space<vmem>>) dst(%dma_wait3A_77 : memref<12800xf32, #tpu.memory_space<hbm>>)
    %dma_wait3A_80 = arith.constant 64000 : i32
    %dma_wait3A_81 = tpu.memref_slice %arg5[%dma_wait3A_80] : memref<100000xf32, #tpu.memory_space<vmem>> -> memref<12800xf32, #tpu.memory_space<vmem>>
    %dma_wait3A_82 = arith.constant 0 : i32
    %dma_wait3A_83 = tpu.memref_slice %arg4[%sub3A_10, %dma_wait3A_82] : memref<1024x100000xf32, #tpu.memory_space<hbm>> -> memref<1x100000xf32, #tpu.memory_space<hbm>>
    %dma_wait3A_84 = tpu.memref_squeeze %dma_wait3A_83 : memref<1x100000xf32, #tpu.memory_space<hbm>> -> memref<100000xf32, #tpu.memory_space<hbm>>
    %dma_wait3A_85 = arith.constant 64000 : i32
    %dma_wait3A_86 = tpu.memref_slice %dma_wait3A_84[%dma_wait3A_85] : memref<100000xf32, #tpu.memory_space<hbm>> -> memref<12800xf32, #tpu.memory_space<hbm>>
    %dma_wait3A_87 = arith.constant 0 : i32
    %dma_wait3A_88 = tpu.memref_slice %arg4[%sub3A_10, %dma_wait3A_87] : memref<1024x100000xf32, #tpu.memory_space<hbm>> -> memref<1x100000xf32, #tpu.memory_space<hbm>>
    %dma_wait3A_89 = tpu.memref_squeeze %dma_wait3A_88 : memref<1x100000xf32, #tpu.memory_space<hbm>> -> memref<100000xf32, #tpu.memory_space<hbm>>
    %dma_wait3A_90 = arith.constant 64000 : i32
    %dma_wait3A_91 = tpu.memref_slice %dma_wait3A_89[%dma_wait3A_90] : memref<100000xf32, #tpu.memory_space<hbm>> -> memref<12800xf32, #tpu.memory_space<hbm>>
    %dma_wait3A_92 = arith.constant 64000 : i32
    %dma_wait3A_93 = tpu.memref_slice %arg5[%dma_wait3A_92] : memref<100000xf32, #tpu.memory_space<vmem>> -> memref<12800xf32, #tpu.memory_space<vmem>>
    tpu.wait_dma2 semaphore(%arg18 : memref<!tpu.dma_semaphore, #tpu.memory_space<semaphore_mem>>) src(%dma_wait3A_93 : memref<12800xf32, #tpu.memory_space<vmem>>) dst(%dma_wait3A_91 : memref<12800xf32, #tpu.memory_space<hbm>>)
    %dma_wait3A_94 = arith.constant 76800 : i32
    %dma_wait3A_95 = tpu.memref_slice %arg5[%dma_wait3A_94] : memref<100000xf32, #tpu.memory_space<vmem>> -> memref<12800xf32, #tpu.memory_space<vmem>>
    %dma_wait3A_96 = arith.constant 0 : i32
    %dma_wait3A_97 = tpu.memref_slice %arg4[%sub3A_10, %dma_wait3A_96] : memref<1024x100000xf32, #tpu.memory_space<hbm>> -> memref<1x100000xf32, #tpu.memory_space<hbm>>
    %dma_wait3A_98 = tpu.memref_squeeze %dma_wait3A_97 : memref<1x100000xf32, #tpu.memory_space<hbm>> -> memref<100000xf32, #tpu.memory_space<hbm>>
    %dma_wait3A_99 = arith.constant 76800 : i32
    %dma_wait3A_100 = tpu.memref_slice %dma_wait3A_98[%dma_wait3A_99] : memref<100000xf32, #tpu.memory_space<hbm>> -> memref<12800xf32, #tpu.memory_space<hbm>>
    %dma_wait3A_101 = arith.constant 0 : i32
    %dma_wait3A_102 = tpu.memref_slice %arg4[%sub3A_10, %dma_wait3A_101] : memref<1024x100000xf32, #tpu.memory_space<hbm>> -> memref<1x100000xf32, #tpu.memory_space<hbm>>
    %dma_wait3A_103 = tpu.memref_squeeze %dma_wait3A_102 : memref<1x100000xf32, #tpu.memory_space<hbm>> -> memref<100000xf32, #tpu.memory_space<hbm>>
    %dma_wait3A_104 = arith.constant 76800 : i32
    %dma_wait3A_105 = tpu.memref_slice %dma_wait3A_103[%dma_wait3A_104] : memref<100000xf32, #tpu.memory_space<hbm>> -> memref<12800xf32, #tpu.memory_space<hbm>>
    %dma_wait3A_106 = arith.constant 76800 : i32
    %dma_wait3A_107 = tpu.memref_slice %arg5[%dma_wait3A_106] : memref<100000xf32, #tpu.memory_space<vmem>> -> memref<12800xf32, #tpu.memory_space<vmem>>
    tpu.wait_dma2 semaphore(%arg19 : memref<!tpu.dma_semaphore, #tpu.memory_space<semaphore_mem>>) src(%dma_wait3A_107 : memref<12800xf32, #tpu.memory_space<vmem>>) dst(%dma_wait3A_105 : memref<12800xf32, #tpu.memory_space<hbm>>)
    return
  }
}

</mosaic_0001>

<sc_bundles>
// kernel: _run.3.cloned.1.call-start
scs
__scs_entry_jumppad:
0x0: {  	(pc) =	sbr.rel $0x88, $3  }
0x1: {  	(tag) =	ssettag $0x0;
	lr =	simm.s32 $0x1  }
0x2: {  	[smem:$0x3F9F] =	sst lr;
	_ =	strace $0xD0000000  }
0x3: {  	_ = 	snop  }
0x4: {  	_ = 	snop  }
0x5: {  	_ = 	snop  }
0x6: {  	_ = 	snop  }
0x7: {  	_ = 	snop  }
__scs_overlays_trampoline_lowered:
0x8: {  	[smem:$0x3FAE] =	sst s0  }
0x9: {  	[smem:$0x3FAF] =	sst s1  }
0xa: {  	[smem:$0x3FB0] =	sst s2  }
0xb: {  	[smem:$0x3FB1] =	sst s3  }
0xc: {  	[smem:$0x3FB2] =	sst s4  }
0xd: {  	[smem:$0x3FB3] =	sst s5  }
0xe: {  	[smem:$0x3FB4] =	sst s6  }
0xf: {  	[smem:$0x3FB5] =	sst s7  }
0x10: {  	[smem:$0x3FB6] =	sst s8  }
0x11: {  	[smem:$0x3FB7] =	sst s9;
	s0 =	simm.s32 @!p0 $0x0  }
0x12: {  	s1 =	sld [smem:$0x3F9D];
	s0 =	simm.s32 @p0 $0x1  }
0x13: {  	[smem:$0x3FB8] =	sst s0;
	s0 =	simm.s32 @!p1 $0x0  }
0x14: {  	s2 =	sld [smem:$0x3F9C];
	s0 =	simm.s32 @p1 $0x1  }
0x15: {  	[smem:$0x3FB9] =	sst s0;
	s0 =	simm.s32 @!p2 $0x0  }
0x16: {  	s3 =	sld [smem:$0x3FDB];
	s0 =	simm.s32 @p2 $0x1  }
0x17: {  	s4 =	simm.s32 $0x1BF5;
	[smem:$0x3FBB] =	sst s0  }
0x18: {  	s0 =	sld [smem:$0x3F9E];
	_ =	swait.ge [sflag:s4], $0x0  }
0x19: {  	s7 =	sld [smem:$0x3F9F]  }
0x1a: {  	s8 =	sadd.s32 $0xFFFFE003, lr  }
0x1b: {  	s9 =	sadd.s32 $0xFFFFFEF7, lr;
	s5 =	simm.s32 $0xFFFFFFFF;
	p2 =	slt.u32 s8, $0xFFFFF086  }
0x1c: {  	p1 =	slt.u32 s9, $0xF7A;
	s5 =	simm.s32 @!p2 $0x0  }
0x1d: {  	s5 =	simm.s32 @p1 $0x1;
	p0 =	seq.s32 s7, s2  }
0x1e: {  	s7 =	smul.u32 @!p0 $0xF7A, s2;
	p2 =	seq.s32 @!p0 s5, $0x0  }
0x1f: {  	s9 =	smul.u32 $0xF7A, s1;
	s8 =	simm.s32 @!p0 $0x1BF5;
	p2 =	por !p2, p0  }
0x20: {  	[sflag:s8] =	ssyncset.s32 @!p0 $0xFFFFF086;
	s6 =	sadd.s32 @!p0 s3, s7;
	s7 =	simm.s32 @!p0 $0x108  }
0x21: {  	s3 =	sadd.s32 s3, s9;
	s6 =	sadd.s32 @!p0 $0x88, s6;
	s7 =	simm.s32 @p2 $0x1082  }
0x22: {  	[simem:s7], [sflag:s8] =	dma.local @!p0 [hbm:s6], $0xF7A  }
0x23: {  	s9 =	sor.u32 $0xD0000000, s2;
	s6 =	simm.s32 $0x108;
	_ =	swait.ge @!p0 [sflag:s8], $0x0  }
0x24: {  	s3 =	sadd.s32 $0x88, s3;
	s6 =	simm.s32 @!p1 $0x1082;
	[sflag:s4] =	ssyncset.s32 $0xFFFFF086  }
0x25: {  	[simem:s6], [sflag:s4] =	dma.local [hbm:s3], $0xF7A  }
0x26: {  	[smem:$0x3F9F] =	sst s1;
	(tag) =	ssettag s2;
	_ =	strace s9  }
0x27: {  	s1 =	sld [smem:$0x3FAF]  }
0x28: {  	s2 =	sld [smem:$0x3FB0]  }
0x29: {  	s4 =	sld [smem:$0x3FB2]  }
0x2a: {  	p0 =	seq.s32 s5, $0x0;
	s5 =	sld [smem:$0x3FB3]  }
0x2b: {  	s6 =	sld [smem:$0x3FB4]  }
0x2c: {  	s7 =	sld [smem:$0x3FB5]  }
0x2d: {  	s3 =	simm.s32 $0x108;
	s8 =	sld [smem:$0x3FB6]  }
0x2e: {  	s3 =	simm.s32 @!p0 $0x1082;
	s9 =	sld [smem:$0x3FB7]  }
0x2f: {  	lr =	sadd.s32 s0, s3;
	s0 =	sld [smem:$0x3FAE]  }
0x30: {  	s3 =	sld [smem:$0x3FB1]  }
0x31: {  	[smem:$0x3FBA] =	sst s10  }
0x32: {  	s10 =	sld [smem:$0x3FB8];
	_ =	sdelay $0x3  }
0x33: {  	p0 =	seq.s32 s10, $0x1;
	s10 =	sld [smem:$0x3FBA];
	_ =	sdelay $0x3  }
0x34: {  	[smem:$0x3FBA] =	sst s10  }
0x35: {  	s10 =	sld [smem:$0x3FB9];
	_ =	sdelay $0x3  }
0x36: {  	p1 =	seq.s32 s10, $0x1;
	s10 =	sld [smem:$0x3FBA];
	_ =	sdelay $0x3  }
0x37: {  	[smem:$0x3FBA] =	sst s10  }
0x38: {  	s10 =	sld [smem:$0x3FBB]  }
0x39: {  	_ = 	snop;
	(pc) =	sbr.ind lr, $3  }
0x3a: {  	_ = 	snop  }
0x3b: {  	_ = 	snop  }
0x3c: {  	p2 =	seq.s32 s10, $0x1;
	s10 =	sld [smem:$0x3FBA]  }
0x3d: {  	_ =	shalt  }
0x3e: {  	_ =	shalt  }
0x3f: {  	_ =	shalt  }
0x40: {  	_ =	shalt  }
0x41: {  	_ =	shalt  }
0x42: {  	_ =	shalt  }
0x43: {  	_ =	shalt  }
0x44: {  	_ =	shalt  }
0x45: {  	_ =	shalt  }
0x46: {  	_ =	shalt  }
0x47: {  	_ =	shalt  }
0x48: {  	_ =	shalt  }
0x49: {  	_ =	shalt  }
0x4a: {  	_ =	shalt  }
0x4b: {  	_ =	shalt  }
0x4c: {  	_ =	shalt  }
0x4d: {  	_ =	shalt  }
0x4e: {  	_ =	shalt  }
0x4f: {  	_ =	shalt  }
0x50: {  	_ =	shalt  }
0x51: {  	_ =	shalt  }
0x52: {  	_ =	shalt  }
0x53: {  	_ =	shalt  }
0x54: {  	_ =	shalt  }
0x55: {  	_ =	shalt  }
0x56: {  	_ =	shalt  }
0x57: {  	_ =	shalt  }
0x58: {  	_ =	shalt  }
0x59: {  	_ =	shalt  }
0x5a: {  	_ =	shalt  }
0x5b: {  	_ =	shalt  }
0x5c: {  	_ =	shalt  }
0x5d: {  	_ =	shalt  }
0x5e: {  	_ =	shalt  }
0x5f: {  	_ =	shalt  }
0x60: {  	_ =	shalt  }
0x61: {  	_ =	shalt  }
0x62: {  	_ =	shalt  }
0x63: {  	_ =	shalt  }
0x64: {  	_ =	shalt  }
0x65: {  	_ =	shalt  }
0x66: {  	_ =	shalt  }
0x67: {  	_ =	shalt  }
0x68: {  	_ =	shalt  }
0x69: {  	_ =	shalt  }
0x6a: {  	_ =	shalt  }
0x6b: {  	_ =	shalt  }
0x6c: {  	_ =	shalt  }
0x6d: {  	_ =	shalt  }
0x6e: {  	_ =	shalt  }
0x6f: {  	_ =	shalt  }
0x70: {  	_ =	shalt  }
0x71: {  	_ =	shalt  }
0x72: {  	_ =	shalt  }
0x73: {  	_ =	shalt  }
0x74: {  	_ =	shalt  }
0x75: {  	_ =	shalt  }
0x76: {  	_ =	shalt  }
0x77: {  	_ =	shalt  }
0x78: {  	_ =	shalt  }
0x79: {  	_ =	shalt  }
0x7a: {  	_ =	shalt  }
0x7b: {  	_ =	shalt  }
0x7c: {  	_ =	shalt  }
0x7d: {  	_ =	shalt  }
0x7e: {  	_ =	shalt  }
0x7f: {  	_ =	shalt  }
0x80: {  	_ =	shalt  }
0x81: {  	_ =	shalt  }
0x82: {  	_ =	shalt  }
0x83: {  	_ =	shalt  }
0x84: {  	_ =	shalt  }
0x85: {  	_ =	shalt  }
0x86: {  	_ =	shalt  }
0x87: {  	_ =	shalt  }
.Lfunc_end0:
.L_simem_size_0:
called_computation_lowered:
.L_overlay_start_0:
0x88: {  	s2 =	sld [smem:$0x3FD9]  }
0x89: {  	s3 =	sld [smem:$0x3FFE];
	_ =	sdelay $0x1  }
0x8a: {  	s1 =	srdreg.scid  }
0x8b: {  	s0 =	sand.u32 $0x1, s1  }
0x8c: {  	s16 =	sshll.u32 s0, $0xA;
	s2 =	sadd.s32 s3, s2  }
0x8d: {  	s2 =	sadd.s32 s2, s16  }
0x8e: {  	[smem:$0x3FC6] =	sst s2  }
0x8f: {  	_ = 	snop  }
0x90: {  	(tm) =	ssettm $0x1  }
0x91: {  	s17 =	sld [smem:$0x3FFB];
	_ =	sdelay $0x3  }
0x92: {  	_ =	strace s17  }
0x93: {  	s2 =	sld [smem:$0x3FFC];
	_ =	sdelay $0x3  }
0x94: {  	_ =	strace s2  }
0x95: {  	s2 =	sld [smem:$0x3FFD];
	_ =	sdelay $0x3  }
0x96: {  	_ =	strace s2  }
0x97: {  	_ =	strace $0x8FFFFFFF  }
0x98: {  	s18 =	sld [smem:$0x3FDB];
	_ =	sdelay $0x1  }
0x99: {  	s19 =	simm.s32 $_scs_section_size  }
0x9a: {  	s4 =	simm.s32 $_size__tile_overlayer_lowered;
	s5 =	simm.s32 $_tile_overlayer_lowered  }
0x9b: {  	s22 =	simm.s32 $0x1BFF;
	s21 =	sshll.u32 s5, $0x1;
	s2 =	sadd.s32 s19, s18  }
0x9c: {  	s6 =	simm.s32 $0x0;
	s20 =	sshll.u32 s4, $0x1;
	s4 =	sadd.s32 s21, s2  }
0x9d: {  	[timem:s6], [sflag:s22] =	dma.local [hbm:s4], s20  }
0x9e: {  	_ =	swait.ge [sflag:s22], s20  }
0x9f: {  	s3 =	ssub.s32 $0x0, s20;
	[sflag:s22] =	ssyncset.done $0x0  }
0xa0: {  	[sflag:s22] =	ssyncadd.s32 s3;
	_ =	sdelay $0x1  }
0xa1: {  	s23 =	simm.s32 $0x1B8B  }
0xa2: {  	_ =	swait.ge [sflag:s23], $0x1  }
0xa3: {  	[sflag:s23] =	ssyncset.done $0x0  }
0xa4: {  	s25 =	simm.s32 $0x1B8E;
	s24 =	sld [smem:$0x3FFE];
	[sflag:s23] =	ssyncadd.s32 $0xFFFFFFFF  }
0xa5: {  	s26 =	simm.s32 $execute0_lowered;
	[smem:$0x3FD2] =	sst s25  }
0xa6: {  	s4 =	sshll.u32 s26, $0x1;
	_ =	strace $0x80000046;
	[dreg:$0x1] =	wrdreg $0xFFFFFFFF  }
0xa7: {  	s28 =	simm.s32 $_size_execute0_lowered;
	s2 =	sadd.s32 s2, s4;
	[dreg:$0x0] =	wrdreg $0x0  }
0xa8: {  	s4 =	sshll.u32 s28, $0x1;
	[dreg:$0x2] =	wrdreg s2  }
0xa9: {  	[dreg:$0x3] =	wrdreg s4  }
0xaa: {  	[dreg:$0x4] =	wrdreg $0xC0  }
0xab: {  	_ =	task [dreg:s6], $0x5FFFF  }
0xac: {  	[dreg:$0x1] =	wrdreg $0xFFFFFFFF  }
0xad: {  	[dreg:$0x0] =	wrdreg $0x60  }
0xae: {  	[dreg:$0x2] =	wrdreg s24  }
0xaf: {  	[dreg:$0x3] =	wrdreg $0x9  }
0xb0: {  	_ =	task.clear_ibuf [dreg:s6], $0x4FFFF;
	_ =	strace $0x90000046  }
0xb1: {  	s29 =	simm.s32 $0x9;
	_ =	strace $0x80000048  }
0xb2: {  	_ =	swait.ge [sflag:s29], $0x1  }
0xb3: {  	[sflag:s29] =	ssyncadd.s32 $0xFFFFFFFF  }
0xb4: {  	_ =	strace $0x90000048  }
0xb5: {  	_ =	sfence  }
0xb6: {  	s30 =	sld [smem:$0x0];
	_ =	sdelay $0x2  }
0xb7: {  	s31 =	sshll.u32 s1, $0xD;
	s1 =	sshrl.u32 s1, $0x2  }
0xb8: {  	s3 =	sand.u32 $0x4000, s31;
	s1 =	sadd.s32 s1, s30  }
0xb9: {  	s0 =	sor.u32 s3, s0;
	s1 =	sshll.u32 s1, $0x11  }
0xba: {  	s0 =	sor.u32 s1, s0  }
0xbb: {  	s0 =	sadd.s32 $0x8F2B, s0  }
0xbc: {  	[sflag:s0] =	ssyncadd.remote.s32 $0x1  }
0xbd: {  	_ =	sfence.sel $0xFFFF  }
0xbe: {  	[dreg:$0x0] =	wrdreg $0xFFFFFFFF;
	(pc) =	sbr.abs _section_cstart, $3  }
0xbf: {  	[dreg:$0x1] =	wrdreg $0xFFFFFFFF  }
0xc0: {  	_ =	task.clear_ibuf [dreg:s6], $0x2FFFF;
	_ =	strace $0x9FFFFFFF  }
0xc1: {  	(tm) =	ssettm $0x7FFFFFFF  }
tec
execute0_lowered:
.L_overlay_start_1:
0x0: {  	(tag) =	ssettag $0x1  }
0x1: {  	s0 =	rddreg [dreg:$0x0];
	s1 =	simm.s32 $0x0  }
0x2: {  	s2 =	srdreg.scid;
	s5 =	stileid.u32;
	s6 =	simm.s32 $0x400  }
0x3: {  	s7 =	simm.s32 $0x3200;
	s8 =	simm.s32 $0x1;
	s9 =	simm.s32 $0x6400  }
0x4: {  	s10 =	simm.s32 $0x2;
	s11 =	simm.s32 $0x9600;
	s12 =	simm.s32 $0x3  }
0x5: {  	s13 =	simm.s32 $0xC800;
	s14 =	simm.s32 $0x4;
	s15 =	simm.s32 $0xFA00  }
0x6: {  	s16 =	simm.s32 $0x5;
	s17 =	simm.s32 $0x12C00;
	s18 =	simm.s32 $0x6  }
0x7: {  	s19 =	simm.s32 $0x7;
	s21 =	simm.s32 $0x9;
	s22 =	simm.s32 $0xA  }
0x8: {  	s23 =	simm.s32 $0xB;
	s24 =	simm.s32 $0xC;
	s25 =	simm.s32 $0xD  }
0x9: {  	s26 =	simm.s32 $0xE;
	s28 =	simm.s32 $0x0;
	s2 =	sand.u32 $0x1, s2  }
0xa: {  	[smem:$0x7FF] =	sst s1;
	s3 =	sadd.s32 $0x400, s0;
	s4 =	ssub.s32 $0x2, s2  }
0xb: {  	s0 =	sadd.s32 $0xC38400, s0;
	s31 =	sshll.u32 s5, $0x6;
	s29 =	sshrl.u32 s4, $0x1  }
0xc: {  	_ =	strace $0x80000047;
	[dreg:$0x2] =	wrdreg s3;
	s30 =	ssub.s32 s4, s29  }
0xd: {  	[dreg:$0x3] =	wrdreg s0;
	s2 =	sshll.u32 s2, $0x5;
	s0 =	smax.u32 s30, $0x1  }
0xe: {  	s5 =	simm.s32 $0x80;
	s4 =	sor.u32 s2, s31;
	[dreg:$0x4] =	wrdreg s0  }
.LBB2_1:
0xf: {  	s2 =	sshrl.u32 s4, $0x3  }
0x10: {  	p0 =	por $0x1, $0x1;
	s2 =	smul.u32 $0xC3800, s2  }
0x11: {  	s29 =	sand.u32 $0x380, s1;
	s0 =	simm.s32 @!p0 $0x8  }
0x12: {  	_ =	swait.ge @!p0 [sflag:s0], $0x3200;
	s2 =	sor.u32 s29, s2  }
0x13: {  	s30 =	rddreg [dreg:$0x2];
	[sflag:s0] =	ssyncset.done @!p0 $0x0;
	s2 =	sshrl.u32 s2, $0x3  }
0x14: {  	[sflag:s0] =	ssyncadd.s32 @!p0 $0xFFFFCE00;
	s0 =	simm.s32 @!p0 $0x9;
	s29 =	sadd.s32 s30, s2  }
0x15: {  	[tilespmem:s1], [sflag:$0x1] =	stream.strided.gather [hbm4b:s29+s5], $0x3200, s6, s5, $0x38;
	[tilespmem:$0x18700] =	vst v63  }
0x16: {  	_ =	swait.ge @!p0 [sflag:s0], $0x3200  }
0x17: {  	[sflag:s0] =	ssyncset.done @!p0 $0x0  }
0x18: {  	s30 =	sadd.s32 $0x3200, s29;
	[sflag:s0] =	ssyncadd.s32 @!p0 $0xFFFFCE00  }
0x19: {  	[tilespmem:s7], [sflag:$0x2] =	stream.strided.gather [hbm4b:s30+s5], $0x3200, s6, s5, $0x38;
	[tilespmem:$0x18700] =	vst v63  }
0x1a: {  	_ =	swait.ge [sflag:s8], $0x3200  }
0x1b: {  	s20 =	rddreg [dreg:$0x3];
	[sflag:s8] =	ssyncset.done $0x0  }
0x1c: {  	s30 =	simm.s32 @!p0 $0xA;
	[sflag:s8] =	ssyncadd.s32 $0xFFFFCE00;
	s0 =	sadd.s32 s20, s2  }
0x1d: {  	[hbm4b:s0+s5] =	stream.strided.scatter [tilespmem:s1], [sflag:$0x8], $0x3200, s6, s5, $0x38;
	[tilespmem:$0x18700] =	vst v63  }
0x1e: {  	_ =	swait.ge @!p0 [sflag:s30], $0x3200  }
0x1f: {  	[sflag:s30] =	ssyncset.done @!p0 $0x0  }
0x20: {  	s3 =	sadd.s32 $0x6400, s29;
	[sflag:s30] =	ssyncadd.s32 @!p0 $0xFFFFCE00  }
0x21: {  	[tilespmem:s9], [sflag:$0x3] =	stream.strided.gather [hbm4b:s3+s5], $0x3200, s6, s5, $0x38;
	[tilespmem:$0x18700] =	vst v63  }
0x22: {  	_ =	swait.ge [sflag:s10], $0x3200  }
0x23: {  	[sflag:s10] =	ssyncset.done $0x0  }
0x24: {  	s20 =	sadd.s32 $0x3200, s0;
	s30 =	simm.s32 @!p0 $0xB;
	[sflag:s10] =	ssyncadd.s32 $0xFFFFCE00  }
0x25: {  	[hbm4b:s20+s5] =	stream.strided.scatter [tilespmem:s7], [sflag:$0x9], $0x3200, s6, s5, $0x38;
	[tilespmem:$0x18700] =	vst v63  }
0x26: {  	_ =	swait.ge @!p0 [sflag:s30], $0x3200  }
0x27: {  	[sflag:s30] =	ssyncset.done @!p0 $0x0  }
0x28: {  	s3 =	sadd.s32 $0x9600, s29;
	[sflag:s30] =	ssyncadd.s32 @!p0 $0xFFFFCE00  }
0x29: {  	[tilespmem:s11], [sflag:$0x4] =	stream.strided.gather [hbm4b:s3+s5], $0x3200, s6, s5, $0x38;
	[tilespmem:$0x18700] =	vst v63  }
0x2a: {  	_ =	swait.ge [sflag:s12], $0x3200  }
0x2b: {  	[sflag:s12] =	ssyncset.done $0x0  }
0x2c: {  	s20 =	sadd.s32 $0x6400, s0;
	s30 =	simm.s32 @!p0 $0xC;
	[sflag:s12] =	ssyncadd.s32 $0xFFFFCE00  }
0x2d: {  	[hbm4b:s20+s5] =	stream.strided.scatter [tilespmem:s9], [sflag:$0xA], $0x3200, s6, s5, $0x38;
	[tilespmem:$0x18700] =	vst v63  }
0x2e: {  	_ =	swait.ge @!p0 [sflag:s30], $0x3200  }
0x2f: {  	[sflag:s30] =	ssyncset.done @!p0 $0x0  }
0x30: {  	s3 =	sadd.s32 $0xC800, s29;
	[sflag:s30] =	ssyncadd.s32 @!p0 $0xFFFFCE00  }
0x31: {  	[tilespmem:s13], [sflag:$0x5] =	stream.strided.gather [hbm4b:s3+s5], $0x3200, s6, s5, $0x38;
	[tilespmem:$0x18700] =	vst v63  }
0x32: {  	_ =	swait.ge [sflag:s14], $0x3200  }
0x33: {  	[sflag:s14] =	ssyncset.done $0x0  }
0x34: {  	s20 =	sadd.s32 $0x9600, s0;
	s30 =	simm.s32 @!p0 $0xD;
	[sflag:s14] =	ssyncadd.s32 $0xFFFFCE00  }
0x35: {  	[hbm4b:s20+s5] =	stream.strided.scatter [tilespmem:s11], [sflag:$0xB], $0x3200, s6, s5, $0x38;
	[tilespmem:$0x18700] =	vst v63  }
0x36: {  	_ =	swait.ge @!p0 [sflag:s30], $0x3200  }
0x37: {  	[sflag:s30] =	ssyncset.done @!p0 $0x0  }
0x38: {  	s3 =	sadd.s32 $0xFA00, s29;
	[sflag:s30] =	ssyncadd.s32 @!p0 $0xFFFFCE00  }
0x39: {  	[tilespmem:s15], [sflag:$0x6] =	stream.strided.gather [hbm4b:s3+s5], $0x3200, s6, s5, $0x38;
	[tilespmem:$0x18700] =	vst v63  }
0x3a: {  	_ =	swait.ge [sflag:s16], $0x3200  }
0x3b: {  	[sflag:s16] =	ssyncset.done $0x0  }
0x3c: {  	s20 =	sadd.s32 $0xC800, s0;
	s30 =	simm.s32 @!p0 $0xE;
	[sflag:s16] =	ssyncadd.s32 $0xFFFFCE00  }
0x3d: {  	[hbm4b:s20+s5] =	stream.strided.scatter [tilespmem:s13], [sflag:$0xC], $0x3200, s6, s5, $0x38;
	[tilespmem:$0x18700] =	vst v63  }
0x3e: {  	_ =	swait.ge @!p0 [sflag:s30], $0x3200  }
0x3f: {  	[sflag:s30] =	ssyncset.done @!p0 $0x0  }
0x40: {  	s3 =	sadd.s32 $0x12C00, s29;
	[sflag:s30] =	ssyncadd.s32 @!p0 $0xFFFFCE00  }
0x41: {  	[tilespmem:s17], [sflag:$0x7] =	stream.strided.gather [hbm4b:s3+s5], $0x3200, s6, s5, $0x38;
	[tilespmem:$0x18700] =	vst v63  }
0x42: {  	_ =	swait.ge [sflag:s18], $0x3200  }
0x43: {  	s31 =	simm.s32 $0x80;
	s29 =	sadd.s32 $0x1, s4;
	[sflag:s18] =	ssyncset.done $0x0  }
0x44: {  	s20 =	sadd.s32 $0xFA00, s0;
	s0 =	sadd.s32 $0x12C00, s0;
	[sflag:s18] =	ssyncadd.s32 $0xFFFFCE00  }
0x45: {  	[hbm4b:s20+s5] =	stream.strided.scatter [tilespmem:s15], [sflag:$0xD], $0x3200, s6, s5, $0x38;
	[tilespmem:$0x18700] =	vst v63  }
0x46: {  	s30 =	simm.s32 $0x100;
	p0 =	por $0x0, $0x0;
	_ =	swait.ge [sflag:s19], $0x3200  }
.LBB2_2:
0x47: {  	s3 =	sshrl.u32 s29, $0x3;
	[sflag:s19] =	ssyncset.done $0x0  }
0x48: {  	s2 =	simm.s32 @!p0 $0x8;
	s3 =	smul.u32 $0xC3800, s3;
	[sflag:s19] =	ssyncadd.s32 $0xFFFFCE00  }
0x49: {  	[hbm4b:s0+s5] =	stream.strided.scatter [tilespmem:s17], [sflag:$0xE], $0x3200, s6, s5, $0x38;
	[tilespmem:$0x18700] =	vst v63  }
0x4a: {  	s31 =	sand.u32 $0x380, s31;
	_ =	swait.ge @!p0 [sflag:s2], $0x3200  }
0x4b: {  	s20 =	smov.u32 s30;
	s0 =	sor.u32 s31, s3;
	[sflag:s2] =	ssyncset.done @!p0 $0x0  }
0x4c: {  	s3 =	rddreg [dreg:$0x2];
	[sflag:s2] =	ssyncadd.s32 @!p0 $0xFFFFCE00;
	s2 =	sshrl.u32 s0, $0x3  }
0x4d: {  	s31 =	smov.u32 s20;
	s20 =	simm.s32 @!p0 $0x9;
	s0 =	sadd.s32 s3, s2  }
0x4e: {  	[tilespmem:s1], [sflag:$0x1] =	stream.strided.gather [hbm4b:s0+s5], $0x3200, s6, s5, $0x38;
	[tilespmem:$0x18700] =	vst v63  }
0x4f: {  	_ =	swait.ge @!p0 [sflag:s20], $0x3200  }
0x50: {  	[sflag:s20] =	ssyncset.done @!p0 $0x0  }
0x51: {  	s3 =	sadd.s32 $0x3200, s0;
	[sflag:s20] =	ssyncadd.s32 @!p0 $0xFFFFCE00  }
0x52: {  	[tilespmem:s7], [sflag:$0x2] =	stream.strided.gather [hbm4b:s3+s5], $0x3200, s6, s5, $0x38;
	[tilespmem:$0x18700] =	vst v63  }
0x53: {  	_ =	swait.ge [sflag:s8], $0x3200  }
0x54: {  	s3 =	rddreg [dreg:$0x3];
	[sflag:s8] =	ssyncset.done $0x0  }
0x55: {  	s20 =	simm.s32 @!p0 $0xA;
	[sflag:s8] =	ssyncadd.s32 $0xFFFFCE00;
	s2 =	sadd.s32 s3, s2  }
0x56: {  	[hbm4b:s2+s5] =	stream.strided.scatter [tilespmem:s1], [sflag:$0x8], $0x3200, s6, s5, $0x38;
	[tilespmem:$0x18700] =	vst v63  }
0x57: {  	_ =	swait.ge @!p0 [sflag:s20], $0x3200  }
0x58: {  	[sflag:s20] =	ssyncset.done @!p0 $0x0  }
0x59: {  	s3 =	sadd.s32 $0x6400, s0;
	[sflag:s20] =	ssyncadd.s32 @!p0 $0xFFFFCE00  }
0x5a: {  	[tilespmem:s9], [sflag:$0x3] =	stream.strided.gather [hbm4b:s3+s5], $0x3200, s6, s5, $0x38;
	[tilespmem:$0x18700] =	vst v63  }
0x5b: {  	_ =	swait.ge [sflag:s10], $0x3200  }
0x5c: {  	[sflag:s10] =	ssyncset.done $0x0  }
0x5d: {  	s20 =	simm.s32 @!p0 $0xB;
	s3 =	sadd.s32 $0x3200, s2;
	[sflag:s10] =	ssyncadd.s32 $0xFFFFCE00  }
0x5e: {  	[hbm4b:s3+s5] =	stream.strided.scatter [tilespmem:s7], [sflag:$0x9], $0x3200, s6, s5, $0x38;
	[tilespmem:$0x18700] =	vst v63  }
0x5f: {  	_ =	swait.ge @!p0 [sflag:s20], $0x3200  }
0x60: {  	[sflag:s20] =	ssyncset.done @!p0 $0x0  }
0x61: {  	s3 =	sadd.s32 $0x9600, s0;
	[sflag:s20] =	ssyncadd.s32 @!p0 $0xFFFFCE00  }
0x62: {  	[tilespmem:s11], [sflag:$0x4] =	stream.strided.gather [hbm4b:s3+s5], $0x3200, s6, s5, $0x38;
	[tilespmem:$0x18700] =	vst v63  }
0x63: {  	_ =	swait.ge [sflag:s12], $0x3200  }
0x64: {  	[sflag:s12] =	ssyncset.done $0x0  }
0x65: {  	s20 =	simm.s32 @!p0 $0xC;
	s3 =	sadd.s32 $0x6400, s2;
	[sflag:s12] =	ssyncadd.s32 $0xFFFFCE00  }
0x66: {  	[hbm4b:s3+s5] =	stream.strided.scatter [tilespmem:s9], [sflag:$0xA], $0x3200, s6, s5, $0x38;
	[tilespmem:$0x18700] =	vst v63  }
0x67: {  	_ =	swait.ge @!p0 [sflag:s20], $0x3200  }
0x68: {  	[sflag:s20] =	ssyncset.done @!p0 $0x0  }
0x69: {  	s3 =	sadd.s32 $0xC800, s0;
	[sflag:s20] =	ssyncadd.s32 @!p0 $0xFFFFCE00  }
0x6a: {  	[tilespmem:s13], [sflag:$0x5] =	stream.strided.gather [hbm4b:s3+s5], $0x3200, s6, s5, $0x38;
	[tilespmem:$0x18700] =	vst v63  }
0x6b: {  	_ =	swait.ge [sflag:s14], $0x3200  }
0x6c: {  	[sflag:s14] =	ssyncset.done $0x0  }
0x6d: {  	s20 =	simm.s32 @!p0 $0xD;
	s3 =	sadd.s32 $0x9600, s2;
	[sflag:s14] =	ssyncadd.s32 $0xFFFFCE00  }
0x6e: {  	[hbm4b:s3+s5] =	stream.strided.scatter [tilespmem:s11], [sflag:$0xB], $0x3200, s6, s5, $0x38;
	[tilespmem:$0x18700] =	vst v63  }
0x6f: {  	_ =	swait.ge @!p0 [sflag:s20], $0x3200  }
0x70: {  	[sflag:s20] =	ssyncset.done @!p0 $0x0  }
0x71: {  	s3 =	sadd.s32 $0xFA00, s0;
	[sflag:s20] =	ssyncadd.s32 @!p0 $0xFFFFCE00  }
0x72: {  	[tilespmem:s15], [sflag:$0x6] =	stream.strided.gather [hbm4b:s3+s5], $0x3200, s6, s5, $0x38;
	[tilespmem:$0x18700] =	vst v63  }
0x73: {  	_ =	swait.ge [sflag:s16], $0x3200  }
0x74: {  	[sflag:s16] =	ssyncset.done $0x0  }
0x75: {  	s20 =	simm.s32 @!p0 $0xE;
	s3 =	sadd.s32 $0xC800, s2;
	[sflag:s16] =	ssyncadd.s32 $0xFFFFCE00  }
0x76: {  	[hbm4b:s3+s5] =	stream.strided.scatter [tilespmem:s13], [sflag:$0xC], $0x3200, s6, s5, $0x38;
	[tilespmem:$0x18700] =	vst v63  }
0x77: {  	_ =	swait.ge @!p0 [sflag:s20], $0x3200  }
0x78: {  	s30 =	sadd.s32 $0x80, s30;
	[sflag:s20] =	ssyncset.done @!p0 $0x0  }
0x79: {  	p1 =	sne.s32 s30, $0x1000;
	s0 =	sadd.s32 $0x12C00, s0;
	[sflag:s20] =	ssyncadd.s32 @!p0 $0xFFFFCE00  }
0x7a: {  	[tilespmem:s17], [sflag:$0x7] =	stream.strided.gather [hbm4b:s0+s5], $0x3200, s6, s5, $0x38;
	[tilespmem:$0x18700] =	vst v63  }
.Ltmp0:
0x7b: {  	_ =	swait.ge [sflag:s18], $0x3200;
	(pc) =	sbr.rel @p1 .LBB2_2-.Ltmp0, $4  }
0x7c: {  	[sflag:s18] =	ssyncset.done $0x0  }
0x7d: {  	s29 =	sadd.s32 $0x1, s29;
	s20 =	sadd.s32 $0xFA00, s2;
	[sflag:s18] =	ssyncadd.s32 $0xFFFFCE00  }
0x7e: {  	[hbm4b:s20+s5] =	stream.strided.scatter [tilespmem:s15], [sflag:$0xD], $0x3200, s6, s5, $0x38;
	[tilespmem:$0x18700] =	vst v63  }
0x7f: {  	p0 =	seq.s32 s31, $0x0;
	s0 =	sadd.s32 $0x12C00, s2;
	_ =	swait.ge [sflag:s19], $0x3200  }
0x80: {  	[sflag:s19] =	ssyncset.done $0x0;
	s2 =	simm.s32 @!p0 $0x8;
	s3 =	sshrl.u32 s29, $0x3  }
0x81: {  	s29 =	sand.u32 $0x380, s31;
	[sflag:s19] =	ssyncadd.s32 $0xFFFFCE00;
	s3 =	smul.u32 $0xC3800, s3  }
0x82: {  	[hbm4b:s0+s5] =	stream.strided.scatter [tilespmem:s17], [sflag:$0xE], $0x3200, s6, s5, $0x38;
	[tilespmem:$0x18700] =	vst v63  }
0x83: {  	_ =	swait.ge @!p0 [sflag:s2], $0x3200;
	s0 =	sor.u32 s29, s3  }
0x84: {  	s20 =	rddreg [dreg:$0x2];
	[sflag:s2] =	ssyncset.done @!p0 $0x0;
	s0 =	sshrl.u32 s0, $0x3  }
0x85: {  	[sflag:s2] =	ssyncadd.s32 @!p0 $0xFFFFCE00;
	s2 =	simm.s32 @!p0 $0x9;
	s3 =	sadd.s32 s20, s0  }
0x86: {  	[tilespmem:s1], [sflag:$0x1] =	stream.strided.gather [hbm4b:s3+s5], $0x3200, s6, s5, $0x38;
	[tilespmem:$0x18700] =	vst v63  }
0x87: {  	_ =	swait.ge @!p0 [sflag:s2], $0x3200  }
0x88: {  	[sflag:s2] =	ssyncset.done @!p0 $0x0  }
0x89: {  	s30 =	sadd.s32 $0x3200, s3;
	[sflag:s2] =	ssyncadd.s32 @!p0 $0xFFFFCE00  }
0x8a: {  	[tilespmem:s7], [sflag:$0x2] =	stream.strided.gather [hbm4b:s30+s5], $0x3200, s6, s5, $0x38;
	[tilespmem:$0x18700] =	vst v63  }
0x8b: {  	_ =	swait.ge [sflag:s8], $0x3200  }
0x8c: {  	s31 =	rddreg [dreg:$0x3];
	[sflag:s8] =	ssyncset.done $0x0  }
0x8d: {  	s2 =	simm.s32 @!p0 $0xA;
	[sflag:s8] =	ssyncadd.s32 $0xFFFFCE00;
	s0 =	sadd.s32 s31, s0  }
0x8e: {  	[hbm4b:s0+s5] =	stream.strided.scatter [tilespmem:s1], [sflag:$0x8], $0x3200, s6, s5, $0x38;
	[tilespmem:$0x18700] =	vst v63  }
0x8f: {  	_ =	swait.ge @!p0 [sflag:s2], $0x3200  }
0x90: {  	[sflag:s2] =	ssyncset.done @!p0 $0x0  }
0x91: {  	s20 =	sadd.s32 $0x6400, s3;
	[sflag:s2] =	ssyncadd.s32 @!p0 $0xFFFFCE00  }
0x92: {  	[tilespmem:s9], [sflag:$0x3] =	stream.strided.gather [hbm4b:s20+s5], $0x3200, s6, s5, $0x38;
	[tilespmem:$0x18700] =	vst v63  }
0x93: {  	_ =	swait.ge [sflag:s10], $0x3200  }
0x94: {  	[sflag:s10] =	ssyncset.done $0x0  }
0x95: {  	s29 =	sadd.s32 $0x3200, s0;
	s2 =	simm.s32 @!p0 $0xB;
	[sflag:s10] =	ssyncadd.s32 $0xFFFFCE00  }
0x96: {  	[hbm4b:s29+s5] =	stream.strided.scatter [tilespmem:s7], [sflag:$0x9], $0x3200, s6, s5, $0x38;
	[tilespmem:$0x18700] =	vst v63  }
0x97: {  	_ =	swait.ge @!p0 [sflag:s2], $0x3200  }
0x98: {  	[sflag:s2] =	ssyncset.done @!p0 $0x0  }
0x99: {  	s30 =	sadd.s32 $0x9600, s3;
	[sflag:s2] =	ssyncadd.s32 @!p0 $0xFFFFCE00  }
0x9a: {  	[tilespmem:s11], [sflag:$0x4] =	stream.strided.gather [hbm4b:s30+s5], $0x3200, s6, s5, $0x38;
	[tilespmem:$0x18700] =	vst v63  }
0x9b: {  	_ =	swait.ge [sflag:s12], $0x3200  }
0x9c: {  	[sflag:s12] =	ssyncset.done $0x0  }
0x9d: {  	s31 =	sadd.s32 $0x6400, s0;
	s2 =	simm.s32 @!p0 $0xC;
	[sflag:s12] =	ssyncadd.s32 $0xFFFFCE00  }
0x9e: {  	[hbm4b:s31+s5] =	stream.strided.scatter [tilespmem:s9], [sflag:$0xA], $0x3200, s6, s5, $0x38;
	[tilespmem:$0x18700] =	vst v63  }
0x9f: {  	_ =	swait.ge @!p0 [sflag:s2], $0x3200  }
0xa0: {  	[sflag:s2] =	ssyncset.done @!p0 $0x0  }
0xa1: {  	s20 =	sadd.s32 $0xC800, s3;
	[sflag:s2] =	ssyncadd.s32 @!p0 $0xFFFFCE00  }
0xa2: {  	[tilespmem:s13], [sflag:$0x5] =	stream.strided.gather [hbm4b:s20+s5], $0x3200, s6, s5, $0x38;
	[tilespmem:$0x18700] =	vst v63  }
0xa3: {  	_ =	swait.ge [sflag:s14], $0x3200  }
0xa4: {  	[sflag:s14] =	ssyncset.done $0x0  }
0xa5: {  	s29 =	sadd.s32 $0x9600, s0;
	s2 =	simm.s32 @!p0 $0xD;
	[sflag:s14] =	ssyncadd.s32 $0xFFFFCE00  }
0xa6: {  	[hbm4b:s29+s5] =	stream.strided.scatter [tilespmem:s11], [sflag:$0xB], $0x3200, s6, s5, $0x38;
	[tilespmem:$0x18700] =	vst v63  }
0xa7: {  	_ =	swait.ge @!p0 [sflag:s2], $0x3200  }
0xa8: {  	[sflag:s2] =	ssyncset.done @!p0 $0x0  }
0xa9: {  	s30 =	sadd.s32 $0xFA00, s3;
	[sflag:s2] =	ssyncadd.s32 @!p0 $0xFFFFCE00  }
0xaa: {  	[tilespmem:s15], [sflag:$0x6] =	stream.strided.gather [hbm4b:s30+s5], $0x3200, s6, s5, $0x38;
	[tilespmem:$0x18700] =	vst v63  }
0xab: {  	_ =	swait.ge [sflag:s16], $0x3200  }
0xac: {  	[sflag:s16] =	ssyncset.done $0x0  }
0xad: {  	s31 =	sadd.s32 $0xC800, s0;
	s2 =	simm.s32 @!p0 $0xE;
	[sflag:s16] =	ssyncadd.s32 $0xFFFFCE00  }
0xae: {  	[hbm4b:s31+s5] =	stream.strided.scatter [tilespmem:s13], [sflag:$0xC], $0x3200, s6, s5, $0x38;
	[tilespmem:$0x18700] =	vst v63  }
0xaf: {  	_ =	swait.ge @!p0 [sflag:s2], $0x3200  }
0xb0: {  	[sflag:s2] =	ssyncset.done @!p0 $0x0  }
0xb1: {  	s20 =	sadd.s32 $0x12C00, s3;
	[sflag:s2] =	ssyncadd.s32 @!p0 $0xFFFFCE00  }
0xb2: {  	[tilespmem:s17], [sflag:$0x7] =	stream.strided.gather [hbm4b:s20+s5], $0x3200, s6, s5, $0x38;
	[tilespmem:$0x18700] =	vst v63  }
0xb3: {  	_ =	swait.ge [sflag:s18], $0x3200  }
0xb4: {  	[sflag:s18] =	ssyncset.done $0x0  }
0xb5: {  	s29 =	sadd.s32 $0xFA00, s0;
	[sflag:s18] =	ssyncadd.s32 $0xFFFFCE00  }
0xb6: {  	[hbm4b:s29+s5] =	stream.strided.scatter [tilespmem:s15], [sflag:$0xD], $0x3200, s6, s5, $0x38;
	[tilespmem:$0x18700] =	vst v63  }
0xb7: {  	_ =	swait.ge [sflag:s19], $0x3200  }
0xb8: {  	[sflag:s19] =	ssyncset.done $0x0  }
0xb9: {  	s0 =	sadd.s32 $0x12C00, s0;
	s30 =	simm.s32 $0x8;
	[sflag:s19] =	ssyncadd.s32 $0xFFFFCE00  }
0xba: {  	[hbm4b:s0+s5] =	stream.strided.scatter [tilespmem:s17], [sflag:$0xE], $0x3200, s6, s5, $0x38;
	[tilespmem:$0x18700] =	vst v63  }
0xbb: {  	_ =	swait.ge [sflag:s30], $0x3200  }
0xbc: {  	[sflag:s30] =	ssyncset.done $0x0  }
0xbd: {  	[sflag:s30] =	ssyncadd.s32 $0xFFFFCE00  }
0xbe: {  	_ =	swait.ge [sflag:s21], $0x3200  }
0xbf: {  	[sflag:s21] =	ssyncset.done $0x0  }
0xc0: {  	[sflag:s21] =	ssyncadd.s32 $0xFFFFCE00  }
0xc1: {  	_ =	swait.ge [sflag:s22], $0x3200  }
0xc2: {  	[sflag:s22] =	ssyncset.done $0x0  }
0xc3: {  	[sflag:s22] =	ssyncadd.s32 $0xFFFFCE00  }
0xc4: {  	_ =	swait.ge [sflag:s23], $0x3200  }
0xc5: {  	[sflag:s23] =	ssyncset.done $0x0  }
0xc6: {  	[sflag:s23] =	ssyncadd.s32 $0xFFFFCE00  }
0xc7: {  	_ =	swait.ge [sflag:s24], $0x3200  }
0xc8: {  	[sflag:s24] =	ssyncset.done $0x0  }
0xc9: {  	[sflag:s24] =	ssyncadd.s32 $0xFFFFCE00  }
0xca: {  	_ =	swait.ge [sflag:s25], $0x3200  }
0xcb: {  	[sflag:s25] =	ssyncset.done $0x0  }
0xcc: {  	[sflag:s25] =	ssyncadd.s32 $0xFFFFCE00  }
0xcd: {  	_ =	swait.ge [sflag:s26], $0x3200  }
0xce: {  	s28 =	sadd.s32 $0x1, s28;
	s31 =	rddreg [dreg:$0x4]  }
0xcf: {  	p0 =	sne.s32 s28, s31  }
.Ltmp1:
0xd0: {  	_ = 	snop;
	(pc) =	sbr.rel @p0 .LBB2_1-.Ltmp1, $3  }
0xd1: {  	_ =	sdelay $0x1  }
0xd2: {  	[sflag:s26] =	ssyncset.done $0x0  }
0xd3: {  	[sflag:s26] =	ssyncadd.s32 $0xFFFFCE00  }
0xd4: {  	_ =	sfence.sel $0x180000  }
0xd5: {  	[bflag:$0x0] =	sbarrier.arrive $0xFFFF  }
0xd6: {  	_ =	strace $0x90000047  }
0xd7: {  	s0 =	stileid.u32;
	[bflag:$0x2] =	sbarrier.arrive $0xFFFF  }
0xd8: {  	p0 =	sne.s32 s0, $0x0;
	s0 =	rddreg [dreg:$0x1]  }
0xd9: {  	s0 =	sadd.s32 @!p0 $0x100000, s0  }
0xda: {  	[sflag:s0] =	ssyncadd.tile.s32 @!p0 $0x1;
	_ =	shalt  }
.Lfunc_end2:
_tile_overlayer_lowered:
.L_overlay_start_2:
0xdb: {  	(tag) =	ssettag $0x2  }
0xdc: {  	s0 =	rddreg [dreg:$0x0];
	s2 =	stileid.u32  }
0xdd: {  	s1 =	rddreg [dreg:$0x1];
	p0 =	sne.s32 s2, $0x0  }
0xde: {  	s3 =	rddreg [dreg:$0x2];
	[bflag:$0x3] =	sbarrier.arrive $0xFFFF;
	s2 =	simm.s32 @!p0 $0x1C0F  }
0xdf: {  	[timem:s3], [sflag:s2] =	dma.local @!p0 [hbm:s0], s1  }
0xe0: {  	s0 =	simm.s32 @!p0 $0xF  }
0xe1: {  	_ =	swait.ge @!p0 [sflag:s0], s1  }
0xe2: {  	s1 =	ssub.s32 @!p0 $0x0, s1;
	[sflag:s0] =	ssyncset.done @!p0 $0x0  }
0xe3: {  	[sflag:s0] =	ssyncadd.s32 @!p0 s1  }
0xe4: {  	[bflag:$0x3] =	sbarrier.arrive $0xFFFF  }
0xe5: {  	_ =	shalt  }

</sc_bundles>
